<compile_context>
chip_gen: v7x
topology: tpu7x:2x2x1
jax: 0.10.2.dev20260603
libtpu: 0.0.44.dev20260713+nightly
codegen_flags: <defaults>
</compile_context>

<pallas_src>
import functools

import jax
import jax.numpy as jnp
from jax import lax
from jax.experimental import pallas as pl
from jax.experimental.pallas import tpu as pltpu
from jax.experimental.pallas import tpu_sc as plsc

_info = plsc.get_sparse_core_info()
_NC, _NS = _info.num_cores, _info.num_subcores
_NW = _NC * _NS

_CHUNK = 800
_NBUF = 4


@functools.cache
def _make_gather(B, V, D):
    assert B % (_NW * _CHUNK) == 0
    b_per_w = B // _NW
    n_chunks = b_per_w // _CHUNK
    assert n_chunks % _NBUF == 0 and n_chunks >= 3 * _NBUF
    mesh = plsc.VectorSubcoreMesh(core_axis_name="c", subcore_axis_name="s")

    @functools.partial(
        pl.kernel,
        mesh=mesh,
        out_type=jax.ShapeDtypeStruct((B, D), jnp.float32),
        scratch_types=[
            pltpu.VMEM_SHARED((V, D), jnp.float32),
            [pltpu.VMEM((_CHUNK,), jnp.int32)] * _NBUF,
            [pltpu.VMEM((_CHUNK, D), jnp.float32)] * _NBUF,
            [pltpu.SemaphoreType.DMA] * _NBUF,
            pltpu.SemaphoreType.DMA,
            [pltpu.SemaphoreType.DMA] * _NBUF,
        ],
        compiler_params=pltpu.CompilerParams(use_tc_tiling_on_sc=False,
                                             needs_layout_passes=False),
    )
    def gather_kernel(table_hbm, idx_hbm, out_hbm, table_s, idx_v, rows_v,
                      sem_i, sem_g, sem_o):
        sid = lax.axis_index("s")
        wid = sid * _NC + lax.axis_index("c")
        base = wid * b_per_w

        @pl.when(sid == 0)
        def _stage():
            pltpu.sync_copy(table_hbm, table_s)

        plsc.subcore_barrier()

        def issue_idx(g, b):
            pltpu.async_copy(idx_hbm.at[pl.ds(base + g * _CHUNK, _CHUNK)],
                             idx_v[b], sem_i[b])

        def wait_idx(b):
            pltpu.make_async_copy(idx_hbm.at[pl.ds(0, _CHUNK)], idx_v[b],
                                  sem_i[b]).wait()

        def issue_out(g, b):
            pltpu.async_copy(rows_v[b],
                             out_hbm.at[pl.ds(base + g * _CHUNK, _CHUNK)],
                             sem_o[b])

        def wait_out(b):
            pltpu.make_async_copy(rows_v[b], out_hbm.at[pl.ds(0, _CHUNK)],
                                  sem_o[b]).wait()

        def body(g, b, first, last):
            if not first:
                wait_out(b)
            wait_idx(b)
            pltpu.async_copy(table_s.at[idx_v[b]], rows_v[b], sem_g).wait()
            if not last:
                issue_idx(g + _NBUF, b)
            issue_out(g, b)

        for b in range(_NBUF):
            issue_idx(b, b)
        for b in range(_NBUF):
            body(b, b, first=True, last=False)

        def outer(o, _):
            g0 = o * _NBUF
            for b in range(_NBUF):
                body(g0 + b, b, first=False, last=False)
            return ()

        lax.fori_loop(1, n_chunks // _NBUF - 1, outer, ())

        for b in range(_NBUF):
            body(n_chunks - _NBUF + b, b, first=False, last=True)
        for b in range(_NBUF):
            wait_out(b)

    return gather_kernel


def kernel(word_sequences, embedding_table):
    Bo, T = word_sequences.shape
    V, D = embedding_table.shape
    flat_idx = word_sequences.reshape(-1)
    out = _make_gather(Bo * T, V, D)(embedding_table, flat_idx)
    return jnp.maximum(out.reshape(Bo, T, D), jnp.float32(-3.4e38))

# --- scband reference (transcript-rebuilt; emitter-appended) ---
"""Pipeline reference for scband-word-embeddings-lexer-7782480740421 (READ-ONLY COPY).

The authoritative reference and input builder live on the scoring server;
editing this copy changes nothing except your own understanding.
"""

import jax, jax.numpy as jnp
import numpy as np

VOCAB = 1000
EMBED_DIM = 32
BATCH = 16384
HIST_LEN = 200
PADDING_IDX = 0


def setup_inputs(seed: int = 0) -> dict:
    key = jax.random.key(seed)
    k_idx, k_tab = jax.random.split(key)
    # forward input: integer word index sequences in [0, VOCAB)
    word_sequences = jax.random.randint(k_idx, (BATCH, HIST_LEN), 0, VOCAB, dtype=jnp.int32)
    # learned parameter: embedding table, with padding_idx row zeroed (nn.Embedding semantics)
    embedding_table = jax.random.normal(k_tab, (VOCAB, EMBED_DIM), dtype=jnp.float32)
    embedding_table = embedding_table.at[PADDING_IDX].set(0.0)
    return {"word_sequences": word_sequences, "embedding_table": embedding_table}


def reference(word_sequences, embedding_table):
    # Eval-mode forward of WordEmbeddingsLexer: _dpout == 0.0 so integer_dropout is
    # skipped and the forward is a plain embedding lookup.
    return jnp.take(embedding_table, word_sequences, axis=0)

if __name__ == "__main__":
    import jax
    _d = setup_inputs()
    print(jax.jit(kernel)(*tuple(_d.values())))

</pallas_src>

<mosaic_0001>
#map = affine_map<(d0, d1) -> (0, 0)>
#map1 = affine_map<(d0, d1) -> (0)>
module attributes {stable_mosaic.version = 14 : i64} {
  func.func @gather_kernel(%arg0: i32, %arg1: i32, %arg2: memref<1000x32xf32, #tpu.memory_space<hbm>>, %arg3: memref<3276800xi32, #tpu.memory_space<hbm>>, %arg4: memref<3276800x32xf32, #tpu.memory_space<hbm>>, %arg5: memref<1000x32xf32, #tpu.memory_space<vmem_shared>>, %arg6: memref<800xi32, #tpu.memory_space<vmem>>, %arg7: memref<800xi32, #tpu.memory_space<vmem>>, %arg8: memref<800xi32, #tpu.memory_space<vmem>>, %arg9: memref<800xi32, #tpu.memory_space<vmem>>, %arg10: memref<800x32xf32, #tpu.memory_space<vmem>>, %arg11: memref<800x32xf32, #tpu.memory_space<vmem>>, %arg12: memref<800x32xf32, #tpu.memory_space<vmem>>, %arg13: memref<800x32xf32, #tpu.memory_space<vmem>>, %arg14: memref<!tpu.dma_semaphore, #tpu.memory_space<semaphore_mem>>, %arg15: memref<!tpu.dma_semaphore, #tpu.memory_space<semaphore_mem>>, %arg16: memref<!tpu.dma_semaphore, #tpu.memory_space<semaphore_mem>>, %arg17: memref<!tpu.dma_semaphore, #tpu.memory_space<semaphore_mem>>, %arg18: memref<!tpu.dma_semaphore, #tpu.memory_space<semaphore_mem>>, %arg19: memref<!tpu.dma_semaphore, #tpu.memory_space<semaphore_mem>>, %arg20: memref<!tpu.dma_semaphore, #tpu.memory_space<semaphore_mem>>, %arg21: memref<!tpu.dma_semaphore, #tpu.memory_space<semaphore_mem>>, %arg22: memref<!tpu.dma_semaphore, #tpu.memory_space<semaphore_mem>>) attributes {dimension_semantics = [#tpu.dimension_semantics<core_parallel>, #tpu.dimension_semantics<subcore_parallel>], iteration_bounds = array<i64: 2, 16>, scalar_prefetch = 0 : i64, scratch_operands = 18 : i64, tpu.core_type = #tpu.core_type<sc_vector_subcore>, window_params = [{transform_indices = #map}, {transform_indices = #map1}, {transform_indices = #map}]} {
    %mul3A = arith.constant 2 : i32
    %mul3A_0 = arith.muli %arg1, %mul3A : i32
    %add3A = arith.addi %mul3A_0, %arg0 : i32
    %mul3A_1 = arith.constant 102400 : i32
    %mul3A_2 = arith.muli %add3A, %mul3A_1 : i32
    %eq3A = arith.constant 0 : i32
    %eq3A_3 = arith.cmpi eq, %arg1, %eq3A : i32
    %convert_element_type3A = arith.extui %eq3A_3 : i1 to i32
    %cond3A = arith.constant 0 : i32
    %cond3A_4 = arith.cmpi ne, %convert_element_type3A, %cond3A : i32
    scf.if %cond3A_4 {
      "tpu.region"() ({
        %run_scoped3A = tpu.sem_alloc : memref<!tpu.dma_semaphore, #tpu.memory_space<semaphore_mem>>
        tpu.enqueue_dma source(%arg2 : memref<1000x32xf32, #tpu.memory_space<hbm>>) target(%arg5 : memref<1000x32xf32, #tpu.memory_space<vmem_shared>>) target_semaphore(%run_scoped3A : memref<!tpu.dma_semaphore, #tpu.memory_space<semaphore_mem>>)
        tpu.wait_dma2 semaphore(%run_scoped3A : memref<!tpu.dma_semaphore, #tpu.memory_space<semaphore_mem>>) src(%arg2 : memref<1000x32xf32, #tpu.memory_space<hbm>>) dst(%arg5 : memref<1000x32xf32, #tpu.memory_space<vmem_shared>>)
        tpu.yield
      }) : () -> ()
    } else {
    }
    %barrier3A = arith.constant 0 : index
    tpu.barrier barrier_id(%barrier3A)
    %add3A_5 = arith.constant 0 : i32
    %add3A_6 = arith.addi %mul3A_2, %add3A_5 : i32
    %dma_start3A = tpu.memref_slice %arg3[%add3A_6] : memref<3276800xi32, #tpu.memory_space<hbm>> -> memref<800xi32, #tpu.memory_space<hbm>>
    %dma_start3A_7 = tpu.memref_slice %arg3[%add3A_6] : memref<3276800xi32, #tpu.memory_space<hbm>> -> memref<800xi32, #tpu.memory_space<hbm>>
    tpu.enqueue_dma source(%dma_start3A_7 : memref<800xi32, #tpu.memory_space<hbm>>) target(%arg6 : memref<800xi32, #tpu.memory_space<vmem>>) target_semaphore(%arg14 : memref<!tpu.dma_semaphore, #tpu.memory_space<semaphore_mem>>)
    %add3A_8 = arith.constant 800 : i32
    %add3A_9 = arith.addi %mul3A_2, %add3A_8 : i32
    %dma_start3A_10 = tpu.memref_slice %arg3[%add3A_9] : memref<3276800xi32, #tpu.memory_space<hbm>> -> memref<800xi32, #tpu.memory_space<hbm>>
    %dma_start3A_11 = tpu.memref_slice %arg3[%add3A_9] : memref<3276800xi32, #tpu.memory_space<hbm>> -> memref<800xi32, #tpu.memory_space<hbm>>
    tpu.enqueue_dma source(%dma_start3A_11 : memref<800xi32, #tpu.memory_space<hbm>>) target(%arg7 : memref<800xi32, #tpu.memory_space<vmem>>) target_semaphore(%arg15 : memref<!tpu.dma_semaphore, #tpu.memory_space<semaphore_mem>>)
    %add3A_12 = arith.constant 1600 : i32
    %add3A_13 = arith.addi %mul3A_2, %add3A_12 : i32
    %dma_start3A_14 = tpu.memref_slice %arg3[%add3A_13] : memref<3276800xi32, #tpu.memory_space<hbm>> -> memref<800xi32, #tpu.memory_space<hbm>>
    %dma_start3A_15 = tpu.memref_slice %arg3[%add3A_13] : memref<3276800xi32, #tpu.memory_space<hbm>> -> memref<800xi32, #tpu.memory_space<hbm>>
    tpu.enqueue_dma source(%dma_start3A_15 : memref<800xi32, #tpu.memory_space<hbm>>) target(%arg8 : memref<800xi32, #tpu.memory_space<vmem>>) target_semaphore(%arg16 : memref<!tpu.dma_semaphore, #tpu.memory_space<semaphore_mem>>)
    %add3A_16 = arith.constant 2400 : i32
    %add3A_17 = arith.addi %mul3A_2, %add3A_16 : i32
    %dma_start3A_18 = tpu.memref_slice %arg3[%add3A_17] : memref<3276800xi32, #tpu.memory_space<hbm>> -> memref<800xi32, #tpu.memory_space<hbm>>
    %dma_start3A_19 = tpu.memref_slice %arg3[%add3A_17] : memref<3276800xi32, #tpu.memory_space<hbm>> -> memref<800xi32, #tpu.memory_space<hbm>>
    tpu.enqueue_dma source(%dma_start3A_19 : memref<800xi32, #tpu.memory_space<hbm>>) target(%arg9 : memref<800xi32, #tpu.memory_space<vmem>>) target_semaphore(%arg17 : memref<!tpu.dma_semaphore, #tpu.memory_space<semaphore_mem>>)
    %dma_wait3A = arith.constant 0 : i32
    %dma_wait3A_20 = tpu.memref_slice %arg3[%dma_wait3A] : memref<3276800xi32, #tpu.memory_space<hbm>> -> memref<800xi32, #tpu.memory_space<hbm>>
    %dma_wait3A_21 = arith.constant 0 : i32
    %dma_wait3A_22 = tpu.memref_slice %arg3[%dma_wait3A_21] : memref<3276800xi32, #tpu.memory_space<hbm>> -> memref<800xi32, #tpu.memory_space<hbm>>
    tpu.wait_dma2 semaphore(%arg14 : memref<!tpu.dma_semaphore, #tpu.memory_space<semaphore_mem>>) src(%dma_wait3A_22 : memref<800xi32, #tpu.memory_space<hbm>>) dst(%arg6 : memref<800xi32, #tpu.memory_space<vmem>>)
    %dma_start3A_23 = arith.constant 0 : i32
    %dma_start3A_24 = arith.constant 0 : i32
    %dma_start3A_25 = tpu.memref_slice %arg5[%dma_start3A_23, %dma_start3A_24] : memref<1000x32xf32, #tpu.memory_space<vmem_shared>> -> memref<1000x32xf32, #tpu.memory_space<vmem_shared>>
    tpu.enqueue_indirect_dma source(%dma_start3A_25 : memref<1000x32xf32, #tpu.memory_space<vmem_shared>>) target(%arg10 : memref<800x32xf32, #tpu.memory_space<vmem>>) offsets(%arg6 : memref<800xi32, #tpu.memory_space<vmem>>) semaphore(%arg18 : memref<!tpu.dma_semaphore, #tpu.memory_space<semaphore_mem>>)
    %dma_wait3A_26 = arith.constant 0 : i32
    %dma_wait3A_27 = arith.constant 0 : i32
    %dma_wait3A_28 = tpu.memref_slice %arg5[%dma_wait3A_26, %dma_wait3A_27] : memref<1000x32xf32, #tpu.memory_space<vmem_shared>> -> memref<1000x32xf32, #tpu.memory_space<vmem_shared>>
    tpu.wait_indirect_dma semaphore(%arg18 : memref<!tpu.dma_semaphore, #tpu.memory_space<semaphore_mem>>) src(%dma_wait3A_28 : memref<1000x32xf32, #tpu.memory_space<vmem_shared>>) dst(%arg10 : memref<800x32xf32, #tpu.memory_space<vmem>>)
    %add3A_29 = arith.constant 3200 : i32
    %add3A_30 = arith.addi %mul3A_2, %add3A_29 : i32
    %dma_start3A_31 = tpu.memref_slice %arg3[%add3A_30] : memref<3276800xi32, #tpu.memory_space<hbm>> -> memref<800xi32, #tpu.memory_space<hbm>>
    %dma_start3A_32 = tpu.memref_slice %arg3[%add3A_30] : memref<3276800xi32, #tpu.memory_space<hbm>> -> memref<800xi32, #tpu.memory_space<hbm>>
    tpu.enqueue_dma source(%dma_start3A_32 : memref<800xi32, #tpu.memory_space<hbm>>) target(%arg6 : memref<800xi32, #tpu.memory_space<vmem>>) target_semaphore(%arg14 : memref<!tpu.dma_semaphore, #tpu.memory_space<semaphore_mem>>)
    %add3A_33 = arith.constant 0 : i32
    %add3A_34 = arith.addi %mul3A_2, %add3A_33 : i32
    %dma_start3A_35 = arith.constant 0 : i32
    %dma_start3A_36 = tpu.memref_slice %arg4[%add3A_34, %dma_start3A_35] : memref<3276800x32xf32, #tpu.memory_space<hbm>> -> memref<800x32xf32, #tpu.memory_space<hbm>>
    %dma_start3A_37 = arith.constant 0 : i32
    %dma_start3A_38 = tpu.memref_slice %arg4[%add3A_34, %dma_start3A_37] : memref<3276800x32xf32, #tpu.memory_space<hbm>> -> memref<800x32xf32, #tpu.memory_space<hbm>>
    tpu.enqueue_dma source(%arg10 : memref<800x32xf32, #tpu.memory_space<vmem>>) target(%dma_start3A_38 : memref<800x32xf32, #tpu.memory_space<hbm>>) target_semaphore(%arg19 : memref<!tpu.dma_semaphore, #tpu.memory_space<semaphore_mem>>)
    %dma_wait3A_39 = arith.constant 0 : i32
    %dma_wait3A_40 = tpu.memref_slice %arg3[%dma_wait3A_39] : memref<3276800xi32, #tpu.memory_space<hbm>> -> memref<800xi32, #tpu.memory_space<hbm>>
    %dma_wait3A_41 = arith.constant 0 : i32
    %dma_wait3A_42 = tpu.memref_slice %arg3[%dma_wait3A_41] : memref<3276800xi32, #tpu.memory_space<hbm>> -> memref<800xi32, #tpu.memory_space<hbm>>
    tpu.wait_dma2 semaphore(%arg15 : memref<!tpu.dma_semaphore, #tpu.memory_space<semaphore_mem>>) src(%dma_wait3A_42 : memref<800xi32, #tpu.memory_space<hbm>>) dst(%arg7 : memref<800xi32, #tpu.memory_space<vmem>>)
    %dma_start3A_43 = arith.constant 0 : i32
    %dma_start3A_44 = arith.constant 0 : i32
    %dma_start3A_45 = tpu.memref_slice %arg5[%dma_start3A_43, %dma_start3A_44] : memref<1000x32xf32, #tpu.memory_space<vmem_shared>> -> memref<1000x32xf32, #tpu.memory_space<vmem_shared>>
    tpu.enqueue_indirect_dma source(%dma_start3A_45 : memref<1000x32xf32, #tpu.memory_space<vmem_shared>>) target(%arg11 : memref<800x32xf32, #tpu.memory_space<vmem>>) offsets(%arg7 : memref<800xi32, #tpu.memory_space<vmem>>) semaphore(%arg18 : memref<!tpu.dma_semaphore, #tpu.memory_space<semaphore_mem>>)
    %dma_wait3A_46 = arith.constant 0 : i32
    %dma_wait3A_47 = arith.constant 0 : i32
    %dma_wait3A_48 = tpu.memref_slice %arg5[%dma_wait3A_46, %dma_wait3A_47] : memref<1000x32xf32, #tpu.memory_space<vmem_shared>> -> memref<1000x32xf32, #tpu.memory_space<vmem_shared>>
    tpu.wait_indirect_dma semaphore(%arg18 : memref<!tpu.dma_semaphore, #tpu.memory_space<semaphore_mem>>) src(%dma_wait3A_48 : memref<1000x32xf32, #tpu.memory_space<vmem_shared>>) dst(%arg11 : memref<800x32xf32, #tpu.memory_space<vmem>>)
    %add3A_49 = arith.constant 4000 : i32
    %add3A_50 = arith.addi %mul3A_2, %add3A_49 : i32
    %dma_start3A_51 = tpu.memref_slice %arg3[%add3A_50] : memref<3276800xi32, #tpu.memory_space<hbm>> -> memref<800xi32, #tpu.memory_space<hbm>>
    %dma_start3A_52 = tpu.memref_slice %arg3[%add3A_50] : memref<3276800xi32, #tpu.memory_space<hbm>> -> memref<800xi32, #tpu.memory_space<hbm>>
    tpu.enqueue_dma source(%dma_start3A_52 : memref<800xi32, #tpu.memory_space<hbm>>) target(%arg7 : memref<800xi32, #tpu.memory_space<vmem>>) target_semaphore(%arg15 : memref<!tpu.dma_semaphore, #tpu.memory_space<semaphore_mem>>)
    %add3A_53 = arith.constant 800 : i32
    %add3A_54 = arith.addi %mul3A_2, %add3A_53 : i32
    %dma_start3A_55 = arith.constant 0 : i32
    %dma_start3A_56 = tpu.memref_slice %arg4[%add3A_54, %dma_start3A_55] : memref<3276800x32xf32, #tpu.memory_space<hbm>> -> memref<800x32xf32, #tpu.memory_space<hbm>>
    %dma_start3A_57 = arith.constant 0 : i32
    %dma_start3A_58 = tpu.memref_slice %arg4[%add3A_54, %dma_start3A_57] : memref<3276800x32xf32, #tpu.memory_space<hbm>> -> memref<800x32xf32, #tpu.memory_space<hbm>>
    tpu.enqueue_dma source(%arg11 : memref<800x32xf32, #tpu.memory_space<vmem>>) target(%dma_start3A_58 : memref<800x32xf32, #tpu.memory_space<hbm>>) target_semaphore(%arg20 : memref<!tpu.dma_semaphore, #tpu.memory_space<semaphore_mem>>)
    %dma_wait3A_59 = arith.constant 0 : i32
    %dma_wait3A_60 = tpu.memref_slice %arg3[%dma_wait3A_59] : memref<3276800xi32, #tpu.memory_space<hbm>> -> memref<800xi32, #tpu.memory_space<hbm>>
    %dma_wait3A_61 = arith.constant 0 : i32
    %dma_wait3A_62 = tpu.memref_slice %arg3[%dma_wait3A_61] : memref<3276800xi32, #tpu.memory_space<hbm>> -> memref<800xi32, #tpu.memory_space<hbm>>
    tpu.wait_dma2 semaphore(%arg16 : memref<!tpu.dma_semaphore, #tpu.memory_space<semaphore_mem>>) src(%dma_wait3A_62 : memref<800xi32, #tpu.memory_space<hbm>>) dst(%arg8 : memref<800xi32, #tpu.memory_space<vmem>>)
    %dma_start3A_63 = arith.constant 0 : i32
    %dma_start3A_64 = arith.constant 0 : i32
    %dma_start3A_65 = tpu.memref_slice %arg5[%dma_start3A_63, %dma_start3A_64] : memref<1000x32xf32, #tpu.memory_space<vmem_shared>> -> memref<1000x32xf32, #tpu.memory_space<vmem_shared>>
    tpu.enqueue_indirect_dma source(%dma_start3A_65 : memref<1000x32xf32, #tpu.memory_space<vmem_shared>>) target(%arg12 : memref<800x32xf32, #tpu.memory_space<vmem>>) offsets(%arg8 : memref<800xi32, #tpu.memory_space<vmem>>) semaphore(%arg18 : memref<!tpu.dma_semaphore, #tpu.memory_space<semaphore_mem>>)
    %dma_wait3A_66 = arith.constant 0 : i32
    %dma_wait3A_67 = arith.constant 0 : i32
    %dma_wait3A_68 = tpu.memref_slice %arg5[%dma_wait3A_66, %dma_wait3A_67] : memref<1000x32xf32, #tpu.memory_space<vmem_shared>> -> memref<1000x32xf32, #tpu.memory_space<vmem_shared>>
    tpu.wait_indirect_dma semaphore(%arg18 : memref<!tpu.dma_semaphore, #tpu.memory_space<semaphore_mem>>) src(%dma_wait3A_68 : memref<1000x32xf32, #tpu.memory_space<vmem_shared>>) dst(%arg12 : memref<800x32xf32, #tpu.memory_space<vmem>>)
    %add3A_69 = arith.constant 4800 : i32
    %add3A_70 = arith.addi %mul3A_2, %add3A_69 : i32
    %dma_start3A_71 = tpu.memref_slice %arg3[%add3A_70] : memref<3276800xi32, #tpu.memory_space<hbm>> -> memref<800xi32, #tpu.memory_space<hbm>>
    %dma_start3A_72 = tpu.memref_slice %arg3[%add3A_70] : memref<3276800xi32, #tpu.memory_space<hbm>> -> memref<800xi32, #tpu.memory_space<hbm>>
    tpu.enqueue_dma source(%dma_start3A_72 : memref<800xi32, #tpu.memory_space<hbm>>) target(%arg8 : memref<800xi32, #tpu.memory_space<vmem>>) target_semaphore(%arg16 : memref<!tpu.dma_semaphore, #tpu.memory_space<semaphore_mem>>)
    %add3A_73 = arith.constant 1600 : i32
    %add3A_74 = arith.addi %mul3A_2, %add3A_73 : i32
    %dma_start3A_75 = arith.constant 0 : i32
    %dma_start3A_76 = tpu.memref_slice %arg4[%add3A_74, %dma_start3A_75] : memref<3276800x32xf32, #tpu.memory_space<hbm>> -> memref<800x32xf32, #tpu.memory_space<hbm>>
    %dma_start3A_77 = arith.constant 0 : i32
    %dma_start3A_78 = tpu.memref_slice %arg4[%add3A_74, %dma_start3A_77] : memref<3276800x32xf32, #tpu.memory_space<hbm>> -> memref<800x32xf32, #tpu.memory_space<hbm>>
    tpu.enqueue_dma source(%arg12 : memref<800x32xf32, #tpu.memory_space<vmem>>) target(%dma_start3A_78 : memref<800x32xf32, #tpu.memory_space<hbm>>) target_semaphore(%arg21 : memref<!tpu.dma_semaphore, #tpu.memory_space<semaphore_mem>>)
    %dma_wait3A_79 = arith.constant 0 : i32
    %dma_wait3A_80 = tpu.memref_slice %arg3[%dma_wait3A_79] : memref<3276800xi32, #tpu.memory_space<hbm>> -> memref<800xi32, #tpu.memory_space<hbm>>
    %dma_wait3A_81 = arith.constant 0 : i32
    %dma_wait3A_82 = tpu.memref_slice %arg3[%dma_wait3A_81] : memref<3276800xi32, #tpu.memory_space<hbm>> -> memref<800xi32, #tpu.memory_space<hbm>>
    tpu.wait_dma2 semaphore(%arg17 : memref<!tpu.dma_semaphore, #tpu.memory_space<semaphore_mem>>) src(%dma_wait3A_82 : memref<800xi32, #tpu.memory_space<hbm>>) dst(%arg9 : memref<800xi32, #tpu.memory_space<vmem>>)
    %dma_start3A_83 = arith.constant 0 : i32
    %dma_start3A_84 = arith.constant 0 : i32
    %dma_start3A_85 = tpu.memref_slice %arg5[%dma_start3A_83, %dma_start3A_84] : memref<1000x32xf32, #tpu.memory_space<vmem_shared>> -> memref<1000x32xf32, #tpu.memory_space<vmem_shared>>
    tpu.enqueue_indirect_dma source(%dma_start3A_85 : memref<1000x32xf32, #tpu.memory_space<vmem_shared>>) target(%arg13 : memref<800x32xf32, #tpu.memory_space<vmem>>) offsets(%arg9 : memref<800xi32, #tpu.memory_space<vmem>>) semaphore(%arg18 : memref<!tpu.dma_semaphore, #tpu.memory_space<semaphore_mem>>)
    %dma_wait3A_86 = arith.constant 0 : i32
    %dma_wait3A_87 = arith.constant 0 : i32
    %dma_wait3A_88 = tpu.memref_slice %arg5[%dma_wait3A_86, %dma_wait3A_87] : memref<1000x32xf32, #tpu.memory_space<vmem_shared>> -> memref<1000x32xf32, #tpu.memory_space<vmem_shared>>
    tpu.wait_indirect_dma semaphore(%arg18 : memref<!tpu.dma_semaphore, #tpu.memory_space<semaphore_mem>>) src(%dma_wait3A_88 : memref<1000x32xf32, #tpu.memory_space<vmem_shared>>) dst(%arg13 : memref<800x32xf32, #tpu.memory_space<vmem>>)
    %add3A_89 = arith.constant 5600 : i32
    %add3A_90 = arith.addi %mul3A_2, %add3A_89 : i32
    %dma_start3A_91 = tpu.memref_slice %arg3[%add3A_90] : memref<3276800xi32, #tpu.memory_space<hbm>> -> memref<800xi32, #tpu.memory_space<hbm>>
    %dma_start3A_92 = tpu.memref_slice %arg3[%add3A_90] : memref<3276800xi32, #tpu.memory_space<hbm>> -> memref<800xi32, #tpu.memory_space<hbm>>
    tpu.enqueue_dma source(%dma_start3A_92 : memref<800xi32, #tpu.memory_space<hbm>>) target(%arg9 : memref<800xi32, #tpu.memory_space<vmem>>) target_semaphore(%arg17 : memref<!tpu.dma_semaphore, #tpu.memory_space<semaphore_mem>>)
    %add3A_93 = arith.constant 2400 : i32
    %add3A_94 = arith.addi %mul3A_2, %add3A_93 : i32
    %dma_start3A_95 = arith.constant 0 : i32
    %dma_start3A_96 = tpu.memref_slice %arg4[%add3A_94, %dma_start3A_95] : memref<3276800x32xf32, #tpu.memory_space<hbm>> -> memref<800x32xf32, #tpu.memory_space<hbm>>
    %dma_start3A_97 = arith.constant 0 : i32
    %dma_start3A_98 = tpu.memref_slice %arg4[%add3A_94, %dma_start3A_97] : memref<3276800x32xf32, #tpu.memory_space<hbm>> -> memref<800x32xf32, #tpu.memory_space<hbm>>
    tpu.enqueue_dma source(%arg13 : memref<800x32xf32, #tpu.memory_space<vmem>>) target(%dma_start3A_98 : memref<800x32xf32, #tpu.memory_space<hbm>>) target_semaphore(%arg22 : memref<!tpu.dma_semaphore, #tpu.memory_space<semaphore_mem>>)
    %scan3A = arith.constant 1 : i32
    %scan3A_99 = arith.constant 30 : i32
    %scan3A_100 = arith.addi %scan3A, %scan3A_99 : i32
    %scan3A_101 = arith.constant 1 : i32
    scf.for %scan3A_215 = %scan3A to %scan3A_100 step %scan3A_101  : i32 {
      %mul3A_216 = arith.constant 4 : i32
      %mul3A_217 = arith.muli %scan3A_215, %mul3A_216 : i32
      %add3A_218 = arith.constant 0 : i32
      %add3A_219 = arith.addi %mul3A_217, %add3A_218 : i32
      %dma_wait3A_220 = arith.constant 0 : i32
      %dma_wait3A_221 = arith.constant 0 : i32
      %dma_wait3A_222 = tpu.memref_slice %arg4[%dma_wait3A_220, %dma_wait3A_221] : memref<3276800x32xf32, #tpu.memory_space<hbm>> -> memref<800x32xf32, #tpu.memory_space<hbm>>
      %dma_wait3A_223 = arith.constant 0 : i32
      %dma_wait3A_224 = arith.constant 0 : i32
      %dma_wait3A_225 = tpu.memref_slice %arg4[%dma_wait3A_223, %dma_wait3A_224] : memref<3276800x32xf32, #tpu.memory_space<hbm>> -> memref<800x32xf32, #tpu.memory_space<hbm>>
      tpu.wait_dma2 semaphore(%arg19 : memref<!tpu.dma_semaphore, #tpu.memory_space<semaphore_mem>>) src(%arg10 : memref<800x32xf32, #tpu.memory_space<vmem>>) dst(%dma_wait3A_225 : memref<800x32xf32, #tpu.memory_space<hbm>>)
      %dma_wait3A_226 = arith.constant 0 : i32
      %dma_wait3A_227 = tpu.memref_slice %arg3[%dma_wait3A_226] : memref<3276800xi32, #tpu.memory_space<hbm>> -> memref<800xi32, #tpu.memory_space<hbm>>
      %dma_wait3A_228 = arith.constant 0 : i32
      %dma_wait3A_229 = tpu.memref_slice %arg3[%dma_wait3A_228] : memref<3276800xi32, #tpu.memory_space<hbm>> -> memref<800xi32, #tpu.memory_space<hbm>>
      tpu.wait_dma2 semaphore(%arg14 : memref<!tpu.dma_semaphore, #tpu.memory_space<semaphore_mem>>) src(%dma_wait3A_229 : memref<800xi32, #tpu.memory_space<hbm>>) dst(%arg6 : memref<800xi32, #tpu.memory_space<vmem>>)
      %dma_start3A_230 = arith.constant 0 : i32
      %dma_start3A_231 = arith.constant 0 : i32
      %dma_start3A_232 = tpu.memref_slice %arg5[%dma_start3A_230, %dma_start3A_231] : memref<1000x32xf32, #tpu.memory_space<vmem_shared>> -> memref<1000x32xf32, #tpu.memory_space<vmem_shared>>
      tpu.enqueue_indirect_dma source(%dma_start3A_232 : memref<1000x32xf32, #tpu.memory_space<vmem_shared>>) target(%arg10 : memref<800x32xf32, #tpu.memory_space<vmem>>) offsets(%arg6 : memref<800xi32, #tpu.memory_space<vmem>>) semaphore(%arg18 : memref<!tpu.dma_semaphore, #tpu.memory_space<semaphore_mem>>)
      %dma_wait3A_233 = arith.constant 0 : i32
      %dma_wait3A_234 = arith.constant 0 : i32
      %dma_wait3A_235 = tpu.memref_slice %arg5[%dma_wait3A_233, %dma_wait3A_234] : memref<1000x32xf32, #tpu.memory_space<vmem_shared>> -> memref<1000x32xf32, #tpu.memory_space<vmem_shared>>
      tpu.wait_indirect_dma semaphore(%arg18 : memref<!tpu.dma_semaphore, #tpu.memory_space<semaphore_mem>>) src(%dma_wait3A_235 : memref<1000x32xf32, #tpu.memory_space<vmem_shared>>) dst(%arg10 : memref<800x32xf32, #tpu.memory_space<vmem>>)
      %add3A_236 = arith.constant 4 : i32
      %add3A_237 = arith.addi %add3A_219, %add3A_236 : i32
      %mul3A_238 = arith.constant 800 : i32
      %mul3A_239 = arith.muli %add3A_237, %mul3A_238 : i32
      %add3A_240 = arith.addi %mul3A_2, %mul3A_239 : i32
      %dma_start3A_241 = tpu.memref_slice %arg3[%add3A_240] : memref<3276800xi32, #tpu.memory_space<hbm>> -> memref<800xi32, #tpu.memory_space<hbm>>
      %dma_start3A_242 = tpu.memref_slice %arg3[%add3A_240] : memref<3276800xi32, #tpu.memory_space<hbm>> -> memref<800xi32, #tpu.memory_space<hbm>>
      tpu.enqueue_dma source(%dma_start3A_242 : memref<800xi32, #tpu.memory_space<hbm>>) target(%arg6 : memref<800xi32, #tpu.memory_space<vmem>>) target_semaphore(%arg14 : memref<!tpu.dma_semaphore, #tpu.memory_space<semaphore_mem>>)
      %mul3A_243 = arith.constant 800 : i32
      %mul3A_244 = arith.muli %add3A_219, %mul3A_243 : i32
      %add3A_245 = arith.addi %mul3A_2, %mul3A_244 : i32
      %dma_start3A_246 = arith.constant 0 : i32
      %dma_start3A_247 = tpu.memref_slice %arg4[%add3A_245, %dma_start3A_246] : memref<3276800x32xf32, #tpu.memory_space<hbm>> -> memref<800x32xf32, #tpu.memory_space<hbm>>
      %dma_start3A_248 = arith.constant 0 : i32
      %dma_start3A_249 = tpu.memref_slice %arg4[%add3A_245, %dma_start3A_248] : memref<3276800x32xf32, #tpu.memory_space<hbm>> -> memref<800x32xf32, #tpu.memory_space<hbm>>
      tpu.enqueue_dma source(%arg10 : memref<800x32xf32, #tpu.memory_space<vmem>>) target(%dma_start3A_249 : memref<800x32xf32, #tpu.memory_space<hbm>>) target_semaphore(%arg19 : memref<!tpu.dma_semaphore, #tpu.memory_space<semaphore_mem>>)
      %add3A_250 = arith.constant 1 : i32
      %add3A_251 = arith.addi %mul3A_217, %add3A_250 : i32
      %dma_wait3A_252 = arith.constant 0 : i32
      %dma_wait3A_253 = arith.constant 0 : i32
      %dma_wait3A_254 = tpu.memref_slice %arg4[%dma_wait3A_252, %dma_wait3A_253] : memref<3276800x32xf32, #tpu.memory_space<hbm>> -> memref<800x32xf32, #tpu.memory_space<hbm>>
      %dma_wait3A_255 = arith.constant 0 : i32
      %dma_wait3A_256 = arith.constant 0 : i32
      %dma_wait3A_257 = tpu.memref_slice %arg4[%dma_wait3A_255, %dma_wait3A_256] : memref<3276800x32xf32, #tpu.memory_space<hbm>> -> memref<800x32xf32, #tpu.memory_space<hbm>>
      tpu.wait_dma2 semaphore(%arg20 : memref<!tpu.dma_semaphore, #tpu.memory_space<semaphore_mem>>) src(%arg11 : memref<800x32xf32, #tpu.memory_space<vmem>>) dst(%dma_wait3A_257 : memref<800x32xf32, #tpu.memory_space<hbm>>)
      %dma_wait3A_258 = arith.constant 0 : i32
      %dma_wait3A_259 = tpu.memref_slice %arg3[%dma_wait3A_258] : memref<3276800xi32, #tpu.memory_space<hbm>> -> memref<800xi32, #tpu.memory_space<hbm>>
      %dma_wait3A_260 = arith.constant 0 : i32
      %dma_wait3A_261 = tpu.memref_slice %arg3[%dma_wait3A_260] : memref<3276800xi32, #tpu.memory_space<hbm>> -> memref<800xi32, #tpu.memory_space<hbm>>
      tpu.wait_dma2 semaphore(%arg15 : memref<!tpu.dma_semaphore, #tpu.memory_space<semaphore_mem>>) src(%dma_wait3A_261 : memref<800xi32, #tpu.memory_space<hbm>>) dst(%arg7 : memref<800xi32, #tpu.memory_space<vmem>>)
      %dma_start3A_262 = arith.constant 0 : i32
      %dma_start3A_263 = arith.constant 0 : i32
      %dma_start3A_264 = tpu.memref_slice %arg5[%dma_start3A_262, %dma_start3A_263] : memref<1000x32xf32, #tpu.memory_space<vmem_shared>> -> memref<1000x32xf32, #tpu.memory_space<vmem_shared>>
      tpu.enqueue_indirect_dma source(%dma_start3A_264 : memref<1000x32xf32, #tpu.memory_space<vmem_shared>>) target(%arg11 : memref<800x32xf32, #tpu.memory_space<vmem>>) offsets(%arg7 : memref<800xi32, #tpu.memory_space<vmem>>) semaphore(%arg18 : memref<!tpu.dma_semaphore, #tpu.memory_space<semaphore_mem>>)
      %dma_wait3A_265 = arith.constant 0 : i32
      %dma_wait3A_266 = arith.constant 0 : i32
      %dma_wait3A_267 = tpu.memref_slice %arg5[%dma_wait3A_265, %dma_wait3A_266] : memref<1000x32xf32, #tpu.memory_space<vmem_shared>> -> memref<1000x32xf32, #tpu.memory_space<vmem_shared>>
      tpu.wait_indirect_dma semaphore(%arg18 : memref<!tpu.dma_semaphore, #tpu.memory_space<semaphore_mem>>) src(%dma_wait3A_267 : memref<1000x32xf32, #tpu.memory_space<vmem_shared>>) dst(%arg11 : memref<800x32xf32, #tpu.memory_space<vmem>>)
      %add3A_268 = arith.constant 4 : i32
      %add3A_269 = arith.addi %add3A_251, %add3A_268 : i32
      %mul3A_270 = arith.constant 800 : i32
      %mul3A_271 = arith.muli %add3A_269, %mul3A_270 : i32
      %add3A_272 = arith.addi %mul3A_2, %mul3A_271 : i32
      %dma_start3A_273 = tpu.memref_slice %arg3[%add3A_272] : memref<3276800xi32, #tpu.memory_space<hbm>> -> memref<800xi32, #tpu.memory_space<hbm>>
      %dma_start3A_274 = tpu.memref_slice %arg3[%add3A_272] : memref<3276800xi32, #tpu.memory_space<hbm>> -> memref<800xi32, #tpu.memory_space<hbm>>
      tpu.enqueue_dma source(%dma_start3A_274 : memref<800xi32, #tpu.memory_space<hbm>>) target(%arg7 : memref<800xi32, #tpu.memory_space<vmem>>) target_semaphore(%arg15 : memref<!tpu.dma_semaphore, #tpu.memory_space<semaphore_mem>>)
      %mul3A_275 = arith.constant 800 : i32
      %mul3A_276 = arith.muli %add3A_251, %mul3A_275 : i32
      %add3A_277 = arith.addi %mul3A_2, %mul3A_276 : i32
      %dma_start3A_278 = arith.constant 0 : i32
      %dma_start3A_279 = tpu.memref_slice %arg4[%add3A_277, %dma_start3A_278] : memref<3276800x32xf32, #tpu.memory_space<hbm>> -> memref<800x32xf32, #tpu.memory_space<hbm>>
      %dma_start3A_280 = arith.constant 0 : i32
      %dma_start3A_281 = tpu.memref_slice %arg4[%add3A_277, %dma_start3A_280] : memref<3276800x32xf32, #tpu.memory_space<hbm>> -> memref<800x32xf32, #tpu.memory_space<hbm>>
      tpu.enqueue_dma source(%arg11 : memref<800x32xf32, #tpu.memory_space<vmem>>) target(%dma_start3A_281 : memref<800x32xf32, #tpu.memory_space<hbm>>) target_semaphore(%arg20 : memref<!tpu.dma_semaphore, #tpu.memory_space<semaphore_mem>>)
      %add3A_282 = arith.constant 2 : i32
      %add3A_283 = arith.addi %mul3A_217, %add3A_282 : i32
      %dma_wait3A_284 = arith.constant 0 : i32
      %dma_wait3A_285 = arith.constant 0 : i32
      %dma_wait3A_286 = tpu.memref_slice %arg4[%dma_wait3A_284, %dma_wait3A_285] : memref<3276800x32xf32, #tpu.memory_space<hbm>> -> memref<800x32xf32, #tpu.memory_space<hbm>>
      %dma_wait3A_287 = arith.constant 0 : i32
      %dma_wait3A_288 = arith.constant 0 : i32
      %dma_wait3A_289 = tpu.memref_slice %arg4[%dma_wait3A_287, %dma_wait3A_288] : memref<3276800x32xf32, #tpu.memory_space<hbm>> -> memref<800x32xf32, #tpu.memory_space<hbm>>
      tpu.wait_dma2 semaphore(%arg21 : memref<!tpu.dma_semaphore, #tpu.memory_space<semaphore_mem>>) src(%arg12 : memref<800x32xf32, #tpu.memory_space<vmem>>) dst(%dma_wait3A_289 : memref<800x32xf32, #tpu.memory_space<hbm>>)
      %dma_wait3A_290 = arith.constant 0 : i32
      %dma_wait3A_291 = tpu.memref_slice %arg3[%dma_wait3A_290] : memref<3276800xi32, #tpu.memory_space<hbm>> -> memref<800xi32, #tpu.memory_space<hbm>>
      %dma_wait3A_292 = arith.constant 0 : i32
      %dma_wait3A_293 = tpu.memref_slice %arg3[%dma_wait3A_292] : memref<3276800xi32, #tpu.memory_space<hbm>> -> memref<800xi32, #tpu.memory_space<hbm>>
      tpu.wait_dma2 semaphore(%arg16 : memref<!tpu.dma_semaphore, #tpu.memory_space<semaphore_mem>>) src(%dma_wait3A_293 : memref<800xi32, #tpu.memory_space<hbm>>) dst(%arg8 : memref<800xi32, #tpu.memory_space<vmem>>)
      %dma_start3A_294 = arith.constant 0 : i32
      %dma_start3A_295 = arith.constant 0 : i32
      %dma_start3A_296 = tpu.memref_slice %arg5[%dma_start3A_294, %dma_start3A_295] : memref<1000x32xf32, #tpu.memory_space<vmem_shared>> -> memref<1000x32xf32, #tpu.memory_space<vmem_shared>>
      tpu.enqueue_indirect_dma source(%dma_start3A_296 : memref<1000x32xf32, #tpu.memory_space<vmem_shared>>) target(%arg12 : memref<800x32xf32, #tpu.memory_space<vmem>>) offsets(%arg8 : memref<800xi32, #tpu.memory_space<vmem>>) semaphore(%arg18 : memref<!tpu.dma_semaphore, #tpu.memory_space<semaphore_mem>>)
      %dma_wait3A_297 = arith.constant 0 : i32
      %dma_wait3A_298 = arith.constant 0 : i32
      %dma_wait3A_299 = tpu.memref_slice %arg5[%dma_wait3A_297, %dma_wait3A_298] : memref<1000x32xf32, #tpu.memory_space<vmem_shared>> -> memref<1000x32xf32, #tpu.memory_space<vmem_shared>>
      tpu.wait_indirect_dma semaphore(%arg18 : memref<!tpu.dma_semaphore, #tpu.memory_space<semaphore_mem>>) src(%dma_wait3A_299 : memref<1000x32xf32, #tpu.memory_space<vmem_shared>>) dst(%arg12 : memref<800x32xf32, #tpu.memory_space<vmem>>)
      %add3A_300 = arith.constant 4 : i32
      %add3A_301 = arith.addi %add3A_283, %add3A_300 : i32
      %mul3A_302 = arith.constant 800 : i32
      %mul3A_303 = arith.muli %add3A_301, %mul3A_302 : i32
      %add3A_304 = arith.addi %mul3A_2, %mul3A_303 : i32
      %dma_start3A_305 = tpu.memref_slice %arg3[%add3A_304] : memref<3276800xi32, #tpu.memory_space<hbm>> -> memref<800xi32, #tpu.memory_space<hbm>>
      %dma_start3A_306 = tpu.memref_slice %arg3[%add3A_304] : memref<3276800xi32, #tpu.memory_space<hbm>> -> memref<800xi32, #tpu.memory_space<hbm>>
      tpu.enqueue_dma source(%dma_start3A_306 : memref<800xi32, #tpu.memory_space<hbm>>) target(%arg8 : memref<800xi32, #tpu.memory_space<vmem>>) target_semaphore(%arg16 : memref<!tpu.dma_semaphore, #tpu.memory_space<semaphore_mem>>)
      %mul3A_307 = arith.constant 800 : i32
      %mul3A_308 = arith.muli %add3A_283, %mul3A_307 : i32
      %add3A_309 = arith.addi %mul3A_2, %mul3A_308 : i32
      %dma_start3A_310 = arith.constant 0 : i32
      %dma_start3A_311 = tpu.memref_slice %arg4[%add3A_309, %dma_start3A_310] : memref<3276800x32xf32, #tpu.memory_space<hbm>> -> memref<800x32xf32, #tpu.memory_space<hbm>>
      %dma_start3A_312 = arith.constant 0 : i32
      %dma_start3A_313 = tpu.memref_slice %arg4[%add3A_309, %dma_start3A_312] : memref<3276800x32xf32, #tpu.memory_space<hbm>> -> memref<800x32xf32, #tpu.memory_space<hbm>>
      tpu.enqueue_dma source(%arg12 : memref<800x32xf32, #tpu.memory_space<vmem>>) target(%dma_start3A_313 : memref<800x32xf32, #tpu.memory_space<hbm>>) target_semaphore(%arg21 : memref<!tpu.dma_semaphore, #tpu.memory_space<semaphore_mem>>)
      %add3A_314 = arith.constant 3 : i32
      %add3A_315 = arith.addi %mul3A_217, %add3A_314 : i32
      %dma_wait3A_316 = arith.constant 0 : i32
      %dma_wait3A_317 = arith.constant 0 : i32
      %dma_wait3A_318 = tpu.memref_slice %arg4[%dma_wait3A_316, %dma_wait3A_317] : memref<3276800x32xf32, #tpu.memory_space<hbm>> -> memref<800x32xf32, #tpu.memory_space<hbm>>
      %dma_wait3A_319 = arith.constant 0 : i32
      %dma_wait3A_320 = arith.constant 0 : i32
      %dma_wait3A_321 = tpu.memref_slice %arg4[%dma_wait3A_319, %dma_wait3A_320] : memref<3276800x32xf32, #tpu.memory_space<hbm>> -> memref<800x32xf32, #tpu.memory_space<hbm>>
      tpu.wait_dma2 semaphore(%arg22 : memref<!tpu.dma_semaphore, #tpu.memory_space<semaphore_mem>>) src(%arg13 : memref<800x32xf32, #tpu.memory_space<vmem>>) dst(%dma_wait3A_321 : memref<800x32xf32, #tpu.memory_space<hbm>>)
      %dma_wait3A_322 = arith.constant 0 : i32
      %dma_wait3A_323 = tpu.memref_slice %arg3[%dma_wait3A_322] : memref<3276800xi32, #tpu.memory_space<hbm>> -> memref<800xi32, #tpu.memory_space<hbm>>
      %dma_wait3A_324 = arith.constant 0 : i32
      %dma_wait3A_325 = tpu.memref_slice %arg3[%dma_wait3A_324] : memref<3276800xi32, #tpu.memory_space<hbm>> -> memref<800xi32, #tpu.memory_space<hbm>>
      tpu.wait_dma2 semaphore(%arg17 : memref<!tpu.dma_semaphore, #tpu.memory_space<semaphore_mem>>) src(%dma_wait3A_325 : memref<800xi32, #tpu.memory_space<hbm>>) dst(%arg9 : memref<800xi32, #tpu.memory_space<vmem>>)
      %dma_start3A_326 = arith.constant 0 : i32
      %dma_start3A_327 = arith.constant 0 : i32
      %dma_start3A_328 = tpu.memref_slice %arg5[%dma_start3A_326, %dma_start3A_327] : memref<1000x32xf32, #tpu.memory_space<vmem_shared>> -> memref<1000x32xf32, #tpu.memory_space<vmem_shared>>
      tpu.enqueue_indirect_dma source(%dma_start3A_328 : memref<1000x32xf32, #tpu.memory_space<vmem_shared>>) target(%arg13 : memref<800x32xf32, #tpu.memory_space<vmem>>) offsets(%arg9 : memref<800xi32, #tpu.memory_space<vmem>>) semaphore(%arg18 : memref<!tpu.dma_semaphore, #tpu.memory_space<semaphore_mem>>)
      %dma_wait3A_329 = arith.constant 0 : i32
      %dma_wait3A_330 = arith.constant 0 : i32
      %dma_wait3A_331 = tpu.memref_slice %arg5[%dma_wait3A_329, %dma_wait3A_330] : memref<1000x32xf32, #tpu.memory_space<vmem_shared>> -> memref<1000x32xf32, #tpu.memory_space<vmem_shared>>
      tpu.wait_indirect_dma semaphore(%arg18 : memref<!tpu.dma_semaphore, #tpu.memory_space<semaphore_mem>>) src(%dma_wait3A_331 : memref<1000x32xf32, #tpu.memory_space<vmem_shared>>) dst(%arg13 : memref<800x32xf32, #tpu.memory_space<vmem>>)
      %add3A_332 = arith.constant 4 : i32
      %add3A_333 = arith.addi %add3A_315, %add3A_332 : i32
      %mul3A_334 = arith.constant 800 : i32
      %mul3A_335 = arith.muli %add3A_333, %mul3A_334 : i32
      %add3A_336 = arith.addi %mul3A_2, %mul3A_335 : i32
      %dma_start3A_337 = tpu.memref_slice %arg3[%add3A_336] : memref<3276800xi32, #tpu.memory_space<hbm>> -> memref<800xi32, #tpu.memory_space<hbm>>
      %dma_start3A_338 = tpu.memref_slice %arg3[%add3A_336] : memref<3276800xi32, #tpu.memory_space<hbm>> -> memref<800xi32, #tpu.memory_space<hbm>>
      tpu.enqueue_dma source(%dma_start3A_338 : memref<800xi32, #tpu.memory_space<hbm>>) target(%arg9 : memref<800xi32, #tpu.memory_space<vmem>>) target_semaphore(%arg17 : memref<!tpu.dma_semaphore, #tpu.memory_space<semaphore_mem>>)
      %mul3A_339 = arith.constant 800 : i32
      %mul3A_340 = arith.muli %add3A_315, %mul3A_339 : i32
      %add3A_341 = arith.addi %mul3A_2, %mul3A_340 : i32
      %dma_start3A_342 = arith.constant 0 : i32
      %dma_start3A_343 = tpu.memref_slice %arg4[%add3A_341, %dma_start3A_342] : memref<3276800x32xf32, #tpu.memory_space<hbm>> -> memref<800x32xf32, #tpu.memory_space<hbm>>
      %dma_start3A_344 = arith.constant 0 : i32
      %dma_start3A_345 = tpu.memref_slice %arg4[%add3A_341, %dma_start3A_344] : memref<3276800x32xf32, #tpu.memory_space<hbm>> -> memref<800x32xf32, #tpu.memory_space<hbm>>
      tpu.enqueue_dma source(%arg13 : memref<800x32xf32, #tpu.memory_space<vmem>>) target(%dma_start3A_345 : memref<800x32xf32, #tpu.memory_space<hbm>>) target_semaphore(%arg22 : memref<!tpu.dma_semaphore, #tpu.memory_space<semaphore_mem>>)
    }
    %scan3A_102 = arith.constant 30 : i32
    %dma_wait3A_103 = arith.constant 0 : i32
    %dma_wait3A_104 = arith.constant 0 : i32
    %dma_wait3A_105 = tpu.memref_slice %arg4[%dma_wait3A_103, %dma_wait3A_104] : memref<3276800x32xf32, #tpu.memory_space<hbm>> -> memref<800x32xf32, #tpu.memory_space<hbm>>
    %dma_wait3A_106 = arith.constant 0 : i32
    %dma_wait3A_107 = arith.constant 0 : i32
    %dma_wait3A_108 = tpu.memref_slice %arg4[%dma_wait3A_106, %dma_wait3A_107] : memref<3276800x32xf32, #tpu.memory_space<hbm>> -> memref<800x32xf32, #tpu.memory_space<hbm>>
    tpu.wait_dma2 semaphore(%arg19 : memref<!tpu.dma_semaphore, #tpu.memory_space<semaphore_mem>>) src(%arg10 : memref<800x32xf32, #tpu.memory_space<vmem>>) dst(%dma_wait3A_108 : memref<800x32xf32, #tpu.memory_space<hbm>>)
    %dma_wait3A_109 = arith.constant 0 : i32
    %dma_wait3A_110 = tpu.memref_slice %arg3[%dma_wait3A_109] : memref<3276800xi32, #tpu.memory_space<hbm>> -> memref<800xi32, #tpu.memory_space<hbm>>
    %dma_wait3A_111 = arith.constant 0 : i32
    %dma_wait3A_112 = tpu.memref_slice %arg3[%dma_wait3A_111] : memref<3276800xi32, #tpu.memory_space<hbm>> -> memref<800xi32, #tpu.memory_space<hbm>>
    tpu.wait_dma2 semaphore(%arg14 : memref<!tpu.dma_semaphore, #tpu.memory_space<semaphore_mem>>) src(%dma_wait3A_112 : memref<800xi32, #tpu.memory_space<hbm>>) dst(%arg6 : memref<800xi32, #tpu.memory_space<vmem>>)
    %dma_start3A_113 = arith.constant 0 : i32
    %dma_start3A_114 = arith.constant 0 : i32
    %dma_start3A_115 = tpu.memref_slice %arg5[%dma_start3A_113, %dma_start3A_114] : memref<1000x32xf32, #tpu.memory_space<vmem_shared>> -> memref<1000x32xf32, #tpu.memory_space<vmem_shared>>
    tpu.enqueue_indirect_dma source(%dma_start3A_115 : memref<1000x32xf32, #tpu.memory_space<vmem_shared>>) target(%arg10 : memref<800x32xf32, #tpu.memory_space<vmem>>) offsets(%arg6 : memref<800xi32, #tpu.memory_space<vmem>>) semaphore(%arg18 : memref<!tpu.dma_semaphore, #tpu.memory_space<semaphore_mem>>)
    %dma_wait3A_116 = arith.constant 0 : i32
    %dma_wait3A_117 = arith.constant 0 : i32
    %dma_wait3A_118 = tpu.memref_slice %arg5[%dma_wait3A_116, %dma_wait3A_117] : memref<1000x32xf32, #tpu.memory_space<vmem_shared>> -> memref<1000x32xf32, #tpu.memory_space<vmem_shared>>
    tpu.wait_indirect_dma semaphore(%arg18 : memref<!tpu.dma_semaphore, #tpu.memory_space<semaphore_mem>>) src(%dma_wait3A_118 : memref<1000x32xf32, #tpu.memory_space<vmem_shared>>) dst(%arg10 : memref<800x32xf32, #tpu.memory_space<vmem>>)
    %add3A_119 = arith.constant 99200 : i32
    %add3A_120 = arith.addi %mul3A_2, %add3A_119 : i32
    %dma_start3A_121 = arith.constant 0 : i32
    %dma_start3A_122 = tpu.memref_slice %arg4[%add3A_120, %dma_start3A_121] : memref<3276800x32xf32, #tpu.memory_space<hbm>> -> memref<800x32xf32, #tpu.memory_space<hbm>>
    %dma_start3A_123 = arith.constant 0 : i32
    %dma_start3A_124 = tpu.memref_slice %arg4[%add3A_120, %dma_start3A_123] : memref<3276800x32xf32, #tpu.memory_space<hbm>> -> memref<800x32xf32, #tpu.memory_space<hbm>>
    tpu.enqueue_dma source(%arg10 : memref<800x32xf32, #tpu.memory_space<vmem>>) target(%dma_start3A_124 : memref<800x32xf32, #tpu.memory_space<hbm>>) target_semaphore(%arg19 : memref<!tpu.dma_semaphore, #tpu.memory_space<semaphore_mem>>)
    %dma_wait3A_125 = arith.constant 0 : i32
    %dma_wait3A_126 = arith.constant 0 : i32
    %dma_wait3A_127 = tpu.memref_slice %arg4[%dma_wait3A_125, %dma_wait3A_126] : memref<3276800x32xf32, #tpu.memory_space<hbm>> -> memref<800x32xf32, #tpu.memory_space<hbm>>
    %dma_wait3A_128 = arith.constant 0 : i32
    %dma_wait3A_129 = arith.constant 0 : i32
    %dma_wait3A_130 = tpu.memref_slice %arg4[%dma_wait3A_128, %dma_wait3A_129] : memref<3276800x32xf32, #tpu.memory_space<hbm>> -> memref<800x32xf32, #tpu.memory_space<hbm>>
    tpu.wait_dma2 semaphore(%arg20 : memref<!tpu.dma_semaphore, #tpu.memory_space<semaphore_mem>>) src(%arg11 : memref<800x32xf32, #tpu.memory_space<vmem>>) dst(%dma_wait3A_130 : memref<800x32xf32, #tpu.memory_space<hbm>>)
    %dma_wait3A_131 = arith.constant 0 : i32
    %dma_wait3A_132 = tpu.memref_slice %arg3[%dma_wait3A_131] : memref<3276800xi32, #tpu.memory_space<hbm>> -> memref<800xi32, #tpu.memory_space<hbm>>
    %dma_wait3A_133 = arith.constant 0 : i32
    %dma_wait3A_134 = tpu.memref_slice %arg3[%dma_wait3A_133] : memref<3276800xi32, #tpu.memory_space<hbm>> -> memref<800xi32, #tpu.memory_space<hbm>>
    tpu.wait_dma2 semaphore(%arg15 : memref<!tpu.dma_semaphore, #tpu.memory_space<semaphore_mem>>) src(%dma_wait3A_134 : memref<800xi32, #tpu.memory_space<hbm>>) dst(%arg7 : memref<800xi32, #tpu.memory_space<vmem>>)
    %dma_start3A_135 = arith.constant 0 : i32
    %dma_start3A_136 = arith.constant 0 : i32
    %dma_start3A_137 = tpu.memref_slice %arg5[%dma_start3A_135, %dma_start3A_136] : memref<1000x32xf32, #tpu.memory_space<vmem_shared>> -> memref<1000x32xf32, #tpu.memory_space<vmem_shared>>
    tpu.enqueue_indirect_dma source(%dma_start3A_137 : memref<1000x32xf32, #tpu.memory_space<vmem_shared>>) target(%arg11 : memref<800x32xf32, #tpu.memory_space<vmem>>) offsets(%arg7 : memref<800xi32, #tpu.memory_space<vmem>>) semaphore(%arg18 : memref<!tpu.dma_semaphore, #tpu.memory_space<semaphore_mem>>)
    %dma_wait3A_138 = arith.constant 0 : i32
    %dma_wait3A_139 = arith.constant 0 : i32
    %dma_wait3A_140 = tpu.memref_slice %arg5[%dma_wait3A_138, %dma_wait3A_139] : memref<1000x32xf32, #tpu.memory_space<vmem_shared>> -> memref<1000x32xf32, #tpu.memory_space<vmem_shared>>
    tpu.wait_indirect_dma semaphore(%arg18 : memref<!tpu.dma_semaphore, #tpu.memory_space<semaphore_mem>>) src(%dma_wait3A_140 : memref<1000x32xf32, #tpu.memory_space<vmem_shared>>) dst(%arg11 : memref<800x32xf32, #tpu.memory_space<vmem>>)
    %add3A_141 = arith.constant 100000 : i32
    %add3A_142 = arith.addi %mul3A_2, %add3A_141 : i32
    %dma_start3A_143 = arith.constant 0 : i32
    %dma_start3A_144 = tpu.memref_slice %arg4[%add3A_142, %dma_start3A_143] : memref<3276800x32xf32, #tpu.memory_space<hbm>> -> memref<800x32xf32, #tpu.memory_space<hbm>>
    %dma_start3A_145 = arith.constant 0 : i32
    %dma_start3A_146 = tpu.memref_slice %arg4[%add3A_142, %dma_start3A_145] : memref<3276800x32xf32, #tpu.memory_space<hbm>> -> memref<800x32xf32, #tpu.memory_space<hbm>>
    tpu.enqueue_dma source(%arg11 : memref<800x32xf32, #tpu.memory_space<vmem>>) target(%dma_start3A_146 : memref<800x32xf32, #tpu.memory_space<hbm>>) target_semaphore(%arg20 : memref<!tpu.dma_semaphore, #tpu.memory_space<semaphore_mem>>)
    %dma_wait3A_147 = arith.constant 0 : i32
    %dma_wait3A_148 = arith.constant 0 : i32
    %dma_wait3A_149 = tpu.memref_slice %arg4[%dma_wait3A_147, %dma_wait3A_148] : memref<3276800x32xf32, #tpu.memory_space<hbm>> -> memref<800x32xf32, #tpu.memory_space<hbm>>
    %dma_wait3A_150 = arith.constant 0 : i32
    %dma_wait3A_151 = arith.constant 0 : i32
    %dma_wait3A_152 = tpu.memref_slice %arg4[%dma_wait3A_150, %dma_wait3A_151] : memref<3276800x32xf32, #tpu.memory_space<hbm>> -> memref<800x32xf32, #tpu.memory_space<hbm>>
    tpu.wait_dma2 semaphore(%arg21 : memref<!tpu.dma_semaphore, #tpu.memory_space<semaphore_mem>>) src(%arg12 : memref<800x32xf32, #tpu.memory_space<vmem>>) dst(%dma_wait3A_152 : memref<800x32xf32, #tpu.memory_space<hbm>>)
    %dma_wait3A_153 = arith.constant 0 : i32
    %dma_wait3A_154 = tpu.memref_slice %arg3[%dma_wait3A_153] : memref<3276800xi32, #tpu.memory_space<hbm>> -> memref<800xi32, #tpu.memory_space<hbm>>
    %dma_wait3A_155 = arith.constant 0 : i32
    %dma_wait3A_156 = tpu.memref_slice %arg3[%dma_wait3A_155] : memref<3276800xi32, #tpu.memory_space<hbm>> -> memref<800xi32, #tpu.memory_space<hbm>>
    tpu.wait_dma2 semaphore(%arg16 : memref<!tpu.dma_semaphore, #tpu.memory_space<semaphore_mem>>) src(%dma_wait3A_156 : memref<800xi32, #tpu.memory_space<hbm>>) dst(%arg8 : memref<800xi32, #tpu.memory_space<vmem>>)
    %dma_start3A_157 = arith.constant 0 : i32
    %dma_start3A_158 = arith.constant 0 : i32
    %dma_start3A_159 = tpu.memref_slice %arg5[%dma_start3A_157, %dma_start3A_158] : memref<1000x32xf32, #tpu.memory_space<vmem_shared>> -> memref<1000x32xf32, #tpu.memory_space<vmem_shared>>
    tpu.enqueue_indirect_dma source(%dma_start3A_159 : memref<1000x32xf32, #tpu.memory_space<vmem_shared>>) target(%arg12 : memref<800x32xf32, #tpu.memory_space<vmem>>) offsets(%arg8 : memref<800xi32, #tpu.memory_space<vmem>>) semaphore(%arg18 : memref<!tpu.dma_semaphore, #tpu.memory_space<semaphore_mem>>)
    %dma_wait3A_160 = arith.constant 0 : i32
    %dma_wait3A_161 = arith.constant 0 : i32
    %dma_wait3A_162 = tpu.memref_slice %arg5[%dma_wait3A_160, %dma_wait3A_161] : memref<1000x32xf32, #tpu.memory_space<vmem_shared>> -> memref<1000x32xf32, #tpu.memory_space<vmem_shared>>
    tpu.wait_indirect_dma semaphore(%arg18 : memref<!tpu.dma_semaphore, #tpu.memory_space<semaphore_mem>>) src(%dma_wait3A_162 : memref<1000x32xf32, #tpu.memory_space<vmem_shared>>) dst(%arg12 : memref<800x32xf32, #tpu.memory_space<vmem>>)
    %add3A_163 = arith.constant 100800 : i32
    %add3A_164 = arith.addi %mul3A_2, %add3A_163 : i32
    %dma_start3A_165 = arith.constant 0 : i32
    %dma_start3A_166 = tpu.memref_slice %arg4[%add3A_164, %dma_start3A_165] : memref<3276800x32xf32, #tpu.memory_space<hbm>> -> memref<800x32xf32, #tpu.memory_space<hbm>>
    %dma_start3A_167 = arith.constant 0 : i32
    %dma_start3A_168 = tpu.memref_slice %arg4[%add3A_164, %dma_start3A_167] : memref<3276800x32xf32, #tpu.memory_space<hbm>> -> memref<800x32xf32, #tpu.memory_space<hbm>>
    tpu.enqueue_dma source(%arg12 : memref<800x32xf32, #tpu.memory_space<vmem>>) target(%dma_start3A_168 : memref<800x32xf32, #tpu.memory_space<hbm>>) target_semaphore(%arg21 : memref<!tpu.dma_semaphore, #tpu.memory_space<semaphore_mem>>)
    %dma_wait3A_169 = arith.constant 0 : i32
    %dma_wait3A_170 = arith.constant 0 : i32
    %dma_wait3A_171 = tpu.memref_slice %arg4[%dma_wait3A_169, %dma_wait3A_170] : memref<3276800x32xf32, #tpu.memory_space<hbm>> -> memref<800x32xf32, #tpu.memory_space<hbm>>
    %dma_wait3A_172 = arith.constant 0 : i32
    %dma_wait3A_173 = arith.constant 0 : i32
    %dma_wait3A_174 = tpu.memref_slice %arg4[%dma_wait3A_172, %dma_wait3A_173] : memref<3276800x32xf32, #tpu.memory_space<hbm>> -> memref<800x32xf32, #tpu.memory_space<hbm>>
    tpu.wait_dma2 semaphore(%arg22 : memref<!tpu.dma_semaphore, #tpu.memory_space<semaphore_mem>>) src(%arg13 : memref<800x32xf32, #tpu.memory_space<vmem>>) dst(%dma_wait3A_174 : memref<800x32xf32, #tpu.memory_space<hbm>>)
    %dma_wait3A_175 = arith.constant 0 : i32
    %dma_wait3A_176 = tpu.memref_slice %arg3[%dma_wait3A_175] : memref<3276800xi32, #tpu.memory_space<hbm>> -> memref<800xi32, #tpu.memory_space<hbm>>
    %dma_wait3A_177 = arith.constant 0 : i32
    %dma_wait3A_178 = tpu.memref_slice %arg3[%dma_wait3A_177] : memref<3276800xi32, #tpu.memory_space<hbm>> -> memref<800xi32, #tpu.memory_space<hbm>>
    tpu.wait_dma2 semaphore(%arg17 : memref<!tpu.dma_semaphore, #tpu.memory_space<semaphore_mem>>) src(%dma_wait3A_178 : memref<800xi32, #tpu.memory_space<hbm>>) dst(%arg9 : memref<800xi32, #tpu.memory_space<vmem>>)
    %dma_start3A_179 = arith.constant 0 : i32
    %dma_start3A_180 = arith.constant 0 : i32
    %dma_start3A_181 = tpu.memref_slice %arg5[%dma_start3A_179, %dma_start3A_180] : memref<1000x32xf32, #tpu.memory_space<vmem_shared>> -> memref<1000x32xf32, #tpu.memory_space<vmem_shared>>
    tpu.enqueue_indirect_dma source(%dma_start3A_181 : memref<1000x32xf32, #tpu.memory_space<vmem_shared>>) target(%arg13 : memref<800x32xf32, #tpu.memory_space<vmem>>) offsets(%arg9 : memref<800xi32, #tpu.memory_space<vmem>>) semaphore(%arg18 : memref<!tpu.dma_semaphore, #tpu.memory_space<semaphore_mem>>)
    %dma_wait3A_182 = arith.constant 0 : i32
    %dma_wait3A_183 = arith.constant 0 : i32
    %dma_wait3A_184 = tpu.memref_slice %arg5[%dma_wait3A_182, %dma_wait3A_183] : memref<1000x32xf32, #tpu.memory_space<vmem_shared>> -> memref<1000x32xf32, #tpu.memory_space<vmem_shared>>
    tpu.wait_indirect_dma semaphore(%arg18 : memref<!tpu.dma_semaphore, #tpu.memory_space<semaphore_mem>>) src(%dma_wait3A_184 : memref<1000x32xf32, #tpu.memory_space<vmem_shared>>) dst(%arg13 : memref<800x32xf32, #tpu.memory_space<vmem>>)
    %add3A_185 = arith.constant 101600 : i32
    %add3A_186 = arith.addi %mul3A_2, %add3A_185 : i32
    %dma_start3A_187 = arith.constant 0 : i32
    %dma_start3A_188 = tpu.memref_slice %arg4[%add3A_186, %dma_start3A_187] : memref<3276800x32xf32, #tpu.memory_space<hbm>> -> memref<800x32xf32, #tpu.memory_space<hbm>>
    %dma_start3A_189 = arith.constant 0 : i32
    %dma_start3A_190 = tpu.memref_slice %arg4[%add3A_186, %dma_start3A_189] : memref<3276800x32xf32, #tpu.memory_space<hbm>> -> memref<800x32xf32, #tpu.memory_space<hbm>>
    tpu.enqueue_dma source(%arg13 : memref<800x32xf32, #tpu.memory_space<vmem>>) target(%dma_start3A_190 : memref<800x32xf32, #tpu.memory_space<hbm>>) target_semaphore(%arg22 : memref<!tpu.dma_semaphore, #tpu.memory_space<semaphore_mem>>)
    %dma_wait3A_191 = arith.constant 0 : i32
    %dma_wait3A_192 = arith.constant 0 : i32
    %dma_wait3A_193 = tpu.memref_slice %arg4[%dma_wait3A_191, %dma_wait3A_192] : memref<3276800x32xf32, #tpu.memory_space<hbm>> -> memref<800x32xf32, #tpu.memory_space<hbm>>
    %dma_wait3A_194 = arith.constant 0 : i32
    %dma_wait3A_195 = arith.constant 0 : i32
    %dma_wait3A_196 = tpu.memref_slice %arg4[%dma_wait3A_194, %dma_wait3A_195] : memref<3276800x32xf32, #tpu.memory_space<hbm>> -> memref<800x32xf32, #tpu.memory_space<hbm>>
    tpu.wait_dma2 semaphore(%arg19 : memref<!tpu.dma_semaphore, #tpu.memory_space<semaphore_mem>>) src(%arg10 : memref<800x32xf32, #tpu.memory_space<vmem>>) dst(%dma_wait3A_196 : memref<800x32xf32, #tpu.memory_space<hbm>>)
    %dma_wait3A_197 = arith.constant 0 : i32
    %dma_wait3A_198 = arith.constant 0 : i32
    %dma_wait3A_199 = tpu.memref_slice %arg4[%dma_wait3A_197, %dma_wait3A_198] : memref<3276800x32xf32, #tpu.memory_space<hbm>> -> memref<800x32xf32, #tpu.memory_space<hbm>>
    %dma_wait3A_200 = arith.constant 0 : i32
    %dma_wait3A_201 = arith.constant 0 : i32
    %dma_wait3A_202 = tpu.memref_slice %arg4[%dma_wait3A_200, %dma_wait3A_201] : memref<3276800x32xf32, #tpu.memory_space<hbm>> -> memref<800x32xf32, #tpu.memory_space<hbm>>
    tpu.wait_dma2 semaphore(%arg20 : memref<!tpu.dma_semaphore, #tpu.memory_space<semaphore_mem>>) src(%arg11 : memref<800x32xf32, #tpu.memory_space<vmem>>) dst(%dma_wait3A_202 : memref<800x32xf32, #tpu.memory_space<hbm>>)
    %dma_wait3A_203 = arith.constant 0 : i32
    %dma_wait3A_204 = arith.constant 0 : i32
    %dma_wait3A_205 = tpu.memref_slice %arg4[%dma_wait3A_203, %dma_wait3A_204] : memref<3276800x32xf32, #tpu.memory_space<hbm>> -> memref<800x32xf32, #tpu.memory_space<hbm>>
    %dma_wait3A_206 = arith.constant 0 : i32
    %dma_wait3A_207 = arith.constant 0 : i32
    %dma_wait3A_208 = tpu.memref_slice %arg4[%dma_wait3A_206, %dma_wait3A_207] : memref<3276800x32xf32, #tpu.memory_space<hbm>> -> memref<800x32xf32, #tpu.memory_space<hbm>>
    tpu.wait_dma2 semaphore(%arg21 : memref<!tpu.dma_semaphore, #tpu.memory_space<semaphore_mem>>) src(%arg12 : memref<800x32xf32, #tpu.memory_space<vmem>>) dst(%dma_wait3A_208 : memref<800x32xf32, #tpu.memory_space<hbm>>)
    %dma_wait3A_209 = arith.constant 0 : i32
    %dma_wait3A_210 = arith.constant 0 : i32
    %dma_wait3A_211 = tpu.memref_slice %arg4[%dma_wait3A_209, %dma_wait3A_210] : memref<3276800x32xf32, #tpu.memory_space<hbm>> -> memref<800x32xf32, #tpu.memory_space<hbm>>
    %dma_wait3A_212 = arith.constant 0 : i32
    %dma_wait3A_213 = arith.constant 0 : i32
    %dma_wait3A_214 = tpu.memref_slice %arg4[%dma_wait3A_212, %dma_wait3A_213] : memref<3276800x32xf32, #tpu.memory_space<hbm>> -> memref<800x32xf32, #tpu.memory_space<hbm>>
    tpu.wait_dma2 semaphore(%arg22 : memref<!tpu.dma_semaphore, #tpu.memory_space<semaphore_mem>>) src(%arg13 : memref<800x32xf32, #tpu.memory_space<vmem>>) dst(%dma_wait3A_214 : memref<800x32xf32, #tpu.memory_space<hbm>>)
    return
  }
}

</mosaic_0001>

<sc_bundles>
// kernel: kernel.3.cloned.1.call-start
scs
__scs_entry_jumppad:
0x0: {  	(pc) =	sbr.rel $0x88, $3  }
0x1: {  	(tag) =	ssettag $0x0;
	lr =	simm.s32 $0x1  }
0x2: {  	[smem:$0x3F9F] =	sst lr;
	_ =	strace $0xD0000000  }
0x3: {  	_ = 	snop  }
0x4: {  	_ = 	snop  }
0x5: {  	_ = 	snop  }
0x6: {  	_ = 	snop  }
0x7: {  	_ = 	snop  }
__scs_overlays_trampoline_lowered:
0x8: {  	[smem:$0x3FAE] =	sst s0  }
0x9: {  	[smem:$0x3FAF] =	sst s1  }
0xa: {  	[smem:$0x3FB0] =	sst s2  }
0xb: {  	[smem:$0x3FB1] =	sst s3  }
0xc: {  	[smem:$0x3FB2] =	sst s4  }
0xd: {  	[smem:$0x3FB3] =	sst s5  }
0xe: {  	[smem:$0x3FB4] =	sst s6  }
0xf: {  	[smem:$0x3FB5] =	sst s7  }
0x10: {  	[smem:$0x3FB6] =	sst s8  }
0x11: {  	[smem:$0x3FB7] =	sst s9;
	s0 =	simm.s32 @!p0 $0x0  }
0x12: {  	s1 =	sld [smem:$0x3F9D];
	s0 =	simm.s32 @p0 $0x1  }
0x13: {  	[smem:$0x3FB8] =	sst s0;
	s0 =	simm.s32 @!p1 $0x0  }
0x14: {  	s2 =	sld [smem:$0x3F9C];
	s0 =	simm.s32 @p1 $0x1  }
0x15: {  	[smem:$0x3FB9] =	sst s0;
	s0 =	simm.s32 @!p2 $0x0  }
0x16: {  	s3 =	sld [smem:$0x3FDB];
	s0 =	simm.s32 @p2 $0x1  }
0x17: {  	s4 =	simm.s32 $0x1BF5;
	[smem:$0x3FBB] =	sst s0  }
0x18: {  	s0 =	sld [smem:$0x3F9E];
	_ =	swait.ge [sflag:s4], $0x0  }
0x19: {  	s7 =	sld [smem:$0x3F9F]  }
0x1a: {  	s8 =	sadd.s32 $0xFFFFE003, lr  }
0x1b: {  	s9 =	sadd.s32 $0xFFFFFEF7, lr;
	s5 =	simm.s32 $0xFFFFFFFF;
	p2 =	slt.u32 s8, $0xFFFFF086  }
0x1c: {  	p1 =	slt.u32 s9, $0xF7A;
	s5 =	simm.s32 @!p2 $0x0  }
0x1d: {  	s5 =	simm.s32 @p1 $0x1;
	p0 =	seq.s32 s7, s2  }
0x1e: {  	s7 =	smul.u32 @!p0 $0xF7A, s2;
	p2 =	seq.s32 @!p0 s5, $0x0  }
0x1f: {  	s9 =	smul.u32 $0xF7A, s1;
	s8 =	simm.s32 @!p0 $0x1BF5;
	p2 =	por !p2, p0  }
0x20: {  	[sflag:s8] =	ssyncset.s32 @!p0 $0xFFFFF086;
	s6 =	sadd.s32 @!p0 s3, s7;
	s7 =	simm.s32 @!p0 $0x108  }
0x21: {  	s3 =	sadd.s32 s3, s9;
	s6 =	sadd.s32 @!p0 $0x88, s6;
	s7 =	simm.s32 @p2 $0x1082  }
0x22: {  	[simem:s7], [sflag:s8] =	dma.local @!p0 [hbm:s6], $0xF7A  }
0x23: {  	s9 =	sor.u32 $0xD0000000, s2;
	s6 =	simm.s32 $0x108;
	_ =	swait.ge @!p0 [sflag:s8], $0x0  }
0x24: {  	s3 =	sadd.s32 $0x88, s3;
	s6 =	simm.s32 @!p1 $0x1082;
	[sflag:s4] =	ssyncset.s32 $0xFFFFF086  }
0x25: {  	[simem:s6], [sflag:s4] =	dma.local [hbm:s3], $0xF7A  }
0x26: {  	[smem:$0x3F9F] =	sst s1;
	(tag) =	ssettag s2;
	_ =	strace s9  }
0x27: {  	s1 =	sld [smem:$0x3FAF]  }
0x28: {  	s2 =	sld [smem:$0x3FB0]  }
0x29: {  	s4 =	sld [smem:$0x3FB2]  }
0x2a: {  	p0 =	seq.s32 s5, $0x0;
	s5 =	sld [smem:$0x3FB3]  }
0x2b: {  	s6 =	sld [smem:$0x3FB4]  }
0x2c: {  	s7 =	sld [smem:$0x3FB5]  }
0x2d: {  	s3 =	simm.s32 $0x108;
	s8 =	sld [smem:$0x3FB6]  }
0x2e: {  	s3 =	simm.s32 @!p0 $0x1082;
	s9 =	sld [smem:$0x3FB7]  }
0x2f: {  	lr =	sadd.s32 s0, s3;
	s0 =	sld [smem:$0x3FAE]  }
0x30: {  	s3 =	sld [smem:$0x3FB1]  }
0x31: {  	[smem:$0x3FBA] =	sst s10  }
0x32: {  	s10 =	sld [smem:$0x3FB8];
	_ =	sdelay $0x3  }
0x33: {  	p0 =	seq.s32 s10, $0x1;
	s10 =	sld [smem:$0x3FBA];
	_ =	sdelay $0x3  }
0x34: {  	[smem:$0x3FBA] =	sst s10  }
0x35: {  	s10 =	sld [smem:$0x3FB9];
	_ =	sdelay $0x3  }
0x36: {  	p1 =	seq.s32 s10, $0x1;
	s10 =	sld [smem:$0x3FBA];
	_ =	sdelay $0x3  }
0x37: {  	[smem:$0x3FBA] =	sst s10  }
0x38: {  	s10 =	sld [smem:$0x3FBB]  }
0x39: {  	_ = 	snop;
	(pc) =	sbr.ind lr, $3  }
0x3a: {  	_ = 	snop  }
0x3b: {  	_ = 	snop  }
0x3c: {  	p2 =	seq.s32 s10, $0x1;
	s10 =	sld [smem:$0x3FBA]  }
0x3d: {  	_ =	shalt  }
0x3e: {  	_ =	shalt  }
0x3f: {  	_ =	shalt  }
0x40: {  	_ =	shalt  }
0x41: {  	_ =	shalt  }
0x42: {  	_ =	shalt  }
0x43: {  	_ =	shalt  }
0x44: {  	_ =	shalt  }
0x45: {  	_ =	shalt  }
0x46: {  	_ =	shalt  }
0x47: {  	_ =	shalt  }
0x48: {  	_ =	shalt  }
0x49: {  	_ =	shalt  }
0x4a: {  	_ =	shalt  }
0x4b: {  	_ =	shalt  }
0x4c: {  	_ =	shalt  }
0x4d: {  	_ =	shalt  }
0x4e: {  	_ =	shalt  }
0x4f: {  	_ =	shalt  }
0x50: {  	_ =	shalt  }
0x51: {  	_ =	shalt  }
0x52: {  	_ =	shalt  }
0x53: {  	_ =	shalt  }
0x54: {  	_ =	shalt  }
0x55: {  	_ =	shalt  }
0x56: {  	_ =	shalt  }
0x57: {  	_ =	shalt  }
0x58: {  	_ =	shalt  }
0x59: {  	_ =	shalt  }
0x5a: {  	_ =	shalt  }
0x5b: {  	_ =	shalt  }
0x5c: {  	_ =	shalt  }
0x5d: {  	_ =	shalt  }
0x5e: {  	_ =	shalt  }
0x5f: {  	_ =	shalt  }
0x60: {  	_ =	shalt  }
0x61: {  	_ =	shalt  }
0x62: {  	_ =	shalt  }
0x63: {  	_ =	shalt  }
0x64: {  	_ =	shalt  }
0x65: {  	_ =	shalt  }
0x66: {  	_ =	shalt  }
0x67: {  	_ =	shalt  }
0x68: {  	_ =	shalt  }
0x69: {  	_ =	shalt  }
0x6a: {  	_ =	shalt  }
0x6b: {  	_ =	shalt  }
0x6c: {  	_ =	shalt  }
0x6d: {  	_ =	shalt  }
0x6e: {  	_ =	shalt  }
0x6f: {  	_ =	shalt  }
0x70: {  	_ =	shalt  }
0x71: {  	_ =	shalt  }
0x72: {  	_ =	shalt  }
0x73: {  	_ =	shalt  }
0x74: {  	_ =	shalt  }
0x75: {  	_ =	shalt  }
0x76: {  	_ =	shalt  }
0x77: {  	_ =	shalt  }
0x78: {  	_ =	shalt  }
0x79: {  	_ =	shalt  }
0x7a: {  	_ =	shalt  }
0x7b: {  	_ =	shalt  }
0x7c: {  	_ =	shalt  }
0x7d: {  	_ =	shalt  }
0x7e: {  	_ =	shalt  }
0x7f: {  	_ =	shalt  }
0x80: {  	_ =	shalt  }
0x81: {  	_ =	shalt  }
0x82: {  	_ =	shalt  }
0x83: {  	_ =	shalt  }
0x84: {  	_ =	shalt  }
0x85: {  	_ =	shalt  }
0x86: {  	_ =	shalt  }
0x87: {  	_ =	shalt  }
.Lfunc_end0:
.L_simem_size_0:
called_computation.1_lowered:
.L_overlay_start_0:
0x88: {  	s2 =	sld [smem:$0x3FD9]  }
0x89: {  	s3 =	sld [smem:$0x3FFE];
	_ =	sdelay $0x1  }
0x8a: {  	s1 =	srdreg.scid  }
0x8b: {  	s0 =	sand.u32 $0x1, s1  }
0x8c: {  	s17 =	sshll.u32 s0, $0xA;
	s2 =	sadd.s32 s3, s2  }
0x8d: {  	s2 =	sadd.s32 s2, s17  }
0x8e: {  	[smem:$0x3FC6] =	sst s2  }
0x8f: {  	_ = 	snop  }
0x90: {  	s2 =	sld [smem:$0x3FD0];
	(tm) =	ssettm $0x1  }
0x91: {  	s18 =	sld [smem:$0x3FFB];
	_ =	sdelay $0x3  }
0x92: {  	_ =	strace s18  }
0x93: {  	s3 =	sld [smem:$0x3FFC];
	_ =	sdelay $0x3  }
0x94: {  	_ =	strace s3  }
0x95: {  	s3 =	sld [smem:$0x3FFD];
	_ =	sdelay $0x3  }
0x96: {  	_ =	strace s3  }
0x97: {  	_ =	strace $0x8FFFFFFF  }
0x98: {  	s19 =	sld [smem:$0x3FDB];
	_ =	sdelay $0x1  }
0x99: {  	s4 =	simm.s32 $_scs_section_size  }
0x9a: {  	s5 =	simm.s32 $_size__tile_overlayer_lowered;
	s6 =	simm.s32 $_tile_overlayer_lowered  }
0x9b: {  	s22 =	simm.s32 $0x1BFF;
	s21 =	sshll.u32 s6, $0x1;
	s3 =	sadd.s32 s4, s19  }
0x9c: {  	s7 =	simm.s32 $0x0;
	s20 =	sshll.u32 s5, $0x1;
	s5 =	sadd.s32 s21, s3  }
0x9d: {  	[timem:s7], [sflag:s22] =	dma.local [hbm:s5], s20  }
0x9e: {  	_ =	swait.ge [sflag:s22], s20  }
0x9f: {  	s4 =	ssub.s32 $0x0, s20;
	[sflag:s22] =	ssyncset.done $0x0  }
0xa0: {  	[sflag:s22] =	ssyncadd.s32 s4;
	_ =	sdelay $0x1  }
0xa1: {  	s23 =	simm.s32 $0x1B8B  }
0xa2: {  	_ =	swait.ge [sflag:s23], $0x1  }
0xa3: {  	[sflag:s23] =	ssyncset.done $0x0  }
0xa4: {  	s25 =	simm.s32 $0x1B8E;
	s24 =	sld [smem:$0x3FFE];
	[sflag:s23] =	ssyncadd.s32 $0xFFFFFFFF  }
0xa5: {  	s26 =	simm.s32 $execute0_lowered;
	[smem:$0x3FD2] =	sst s25  }
0xa6: {  	s5 =	sshll.u32 s26, $0x1;
	_ =	strace $0x80000046;
	[dreg:$0x1] =	wrdreg $0xFFFFFFFF  }
0xa7: {  	s28 =	simm.s32 $_size_execute0_lowered;
	s3 =	sadd.s32 s3, s5;
	[dreg:$0x0] =	wrdreg $0x0  }
0xa8: {  	s5 =	sshll.u32 s28, $0x1;
	[dreg:$0x2] =	wrdreg s3  }
0xa9: {  	[dreg:$0x3] =	wrdreg s5  }
0xaa: {  	[dreg:$0x4] =	wrdreg $0xC0  }
0xab: {  	_ =	task [dreg:s7], $0x5FFFF  }
0xac: {  	[dreg:$0x1] =	wrdreg $0xFFFFFFFF  }
0xad: {  	[dreg:$0x0] =	wrdreg $0x60  }
0xae: {  	[dreg:$0x2] =	wrdreg s24  }
0xaf: {  	[dreg:$0x3] =	wrdreg s2  }
0xb0: {  	[dreg:$0x4] =	wrdreg $0x0  }
0xb1: {  	[dreg:$0x5] =	wrdreg $0x9  }
0xb2: {  	_ =	task.clear_ibuf [dreg:s7], $0x6FFFF;
	_ =	strace $0x90000046  }
0xb3: {  	s29 =	simm.s32 $0x9;
	_ =	strace $0x80000048  }
0xb4: {  	_ =	swait.ge [sflag:s29], $0x1  }
0xb5: {  	[sflag:s29] =	ssyncadd.s32 $0xFFFFFFFF  }
0xb6: {  	_ =	strace $0x90000048  }
0xb7: {  	_ =	sfence  }
0xb8: {  	s30 =	sld [smem:$0x0];
	_ =	sdelay $0x2  }
0xb9: {  	s31 =	sshll.u32 s1, $0xD;
	s1 =	sshrl.u32 s1, $0x2  }
0xba: {  	s3 =	sand.u32 $0x4000, s31;
	s1 =	sadd.s32 s1, s30  }
0xbb: {  	s0 =	sor.u32 s3, s0;
	s1 =	sshll.u32 s1, $0x11  }
0xbc: {  	s0 =	sor.u32 s1, s0  }
0xbd: {  	s0 =	sadd.s32 $0x8F2B, s0  }
0xbe: {  	[sflag:s0] =	ssyncadd.remote.s32 $0x1  }
0xbf: {  	_ =	sfence.sel $0xFFFF  }
0xc0: {  	[dreg:$0x0] =	wrdreg $0xFFFFFFFF;
	(pc) =	sbr.abs _section_cstart, $3  }
0xc1: {  	[dreg:$0x1] =	wrdreg $0xFFFFFFFF  }
0xc2: {  	_ =	task.clear_ibuf [dreg:s7], $0x2FFFF;
	_ =	strace $0x9FFFFFFF  }
0xc3: {  	(tm) =	ssettm $0x7FFFFFFF  }
tec
execute0_lowered:
.L_overlay_start_1:
0x0: {  	(tag) =	ssettag $0x1  }
0x1: {  	s3 =	rddreg [dreg:$0x0]  }
0x2: {  	s4 =	rddreg [dreg:$0x1]  }
0x3: {  	s1 =	rddreg [dreg:$0x2];
	s5 =	srdreg.scid  }
0x4: {  	s0 =	stileid.u32;
	s2 =	simm.s32 $0x0;
	s28 =	simm.s32 $0xE10  }
0x5: {  	s29 =	simm.s32 $0x1130;
	s30 =	simm.s32 $0x1;
	s31 =	simm.s32 $0x320  }
0x6: {  	s5 =	sand.u32 $0x1, s5;
	s6 =	sshll.u32 s0, $0x1;
	[smem:$0x7FF] =	sst s2  }
0x7: {  	s8 =	sadd.s32 $0x800, s3;
	s3 =	sadd.s32 $0x1800, s3;
	s24 =	smul.u32 $0x32000, s0  }
0x8: {  	s6 =	sor.u32 s5, s6;
	s16 =	ssub.s32 $0x2, s5;
	s5 =	smul.u32 $0x19000, s5  }
0x9: {  	p0 =	sne.s32 s0, $0x0;
	s0 =	simm.s32 $0x1450;
	s7 =	smul.u32 $0x19000, s6  }
0xa: {  	_ =	strace $0x80000047;
	s9 =	sshrl.u32 s16, $0x1;
	s13 =	smul.u32 $0x64000, s6  }
0xb: {  	[dreg:$0x8] =	wrdreg s8;
	s6 =	smul.u32 $0x320000, s6;
	s8 =	ssub.s32 s16, s9  }
0xc: {  	s5 =	sadd.s32 s5, s24;
	s10 =	sshrl.u32 s7, $0x3;
	s11 =	sor.u32 $0x320, s7  }
0xd: {  	s18 =	sor.u32 $0x640, s7;
	s7 =	sor.u32 $0x960, s7;
	s22 =	sadd.s32 s4, s13  }
0xe: {  	s6 =	sshrl.u32 s6, $0x3;
	s13 =	sshll.u32 s5, $0x2;
	s16 =	sadd.s32 $0x2260, s5  }
0xf: {  	s14 =	sadd.s32 s3, s10;
	s17 =	sshrl.u32 s11, $0x3;
	[dreg:$0xe] =	wrdreg s22  }
0x10: {  	s19 =	sshrl.u32 s18, $0x3;
	s9 =	sadd.s32 s3, s17;
	[dreg:$0x9] =	wrdreg s14  }
0x11: {  	s12 =	sshrl.u32 s7, $0x3;
	s10 =	sadd.s32 s3, s19;
	[dreg:$0xa] =	wrdreg s9  }
0x12: {  	s23 =	sshll.u32 s11, $0x2;
	s20 =	sadd.s32 s3, s12;
	[dreg:$0xb] =	wrdreg s10  }
0x13: {  	s7 =	sshll.u32 s7, $0x2;
	s21 =	sadd.s32 $0x190, s14;
	[dreg:$0xc] =	wrdreg s20  }
0x14: {  	s6 =	sadd.s32 s4, s6;
	s25 =	sadd.s32 $0x1F4, s14;
	[dreg:$0xd] =	wrdreg s21  }
0x15: {  	s11 =	simm.s32 $0x6;
	s26 =	sadd.s32 $0x258, s14;
	[dreg:$0xf] =	wrdreg s25  }
0x16: {  	s12 =	sadd.s32 $0x2BC, s14;
	s7 =	sadd.s32 s4, s7;
	[dreg:$0x11] =	wrdreg s26  }
0x17: {  	s14 =	sadd.s32 $0x60E00, s6;
	s17 =	sshrl.u32 s16, $0x3;
	[dreg:$0x13] =	wrdreg s12  }
0x18: {  	s22 =	sadd.s32 $0x61A80, s6;
	s24 =	sadd.s32 $0x62700, s6;
	[dreg:$0x14] =	wrdreg s7  }
0x19: {  	s10 =	sadd.s32 s4, s23;
	s9 =	sshll.u32 s18, $0x2;
	[dreg:$0x15] =	wrdreg s14  }
0x1a: {  	s7 =	sadd.s32 s17, s3;
	s20 =	sadd.s32 $0x1F40, s5;
	[dreg:$0x17] =	wrdreg s22  }
0x1b: {  	s21 =	sadd.s32 $0x1C20, s5;
	s5 =	sadd.s32 $0x1900, s5;
	[dreg:$0x18] =	wrdreg s24  }
0x1c: {  	s25 =	sadd.s32 $0x63380, s6;
	s26 =	smax.u32 s8, $0x1;
	s6 =	simm.s32 $0x7850  }
0x1d: {  	s8 =	simm.s32 $0xDC50;
	s12 =	simm.s32 $0x7;
	[dreg:$0x10] =	wrdreg s10  }
0x1e: {  	s14 =	simm.s32 $0x9;
	s9 =	sadd.s32 s4, s9;
	[dreg:$0x16] =	wrdreg s7  }
0x1f: {  	s4 =	sadd.s32 s13, s4;
	s7 =	sshrl.u32 s21, $0x3;
	[dreg:$0x19] =	wrdreg s25  }
0x20: {  	s5 =	sshrl.u32 s5, $0x3;
	[dreg:$0x1a] =	wrdreg s26;
	s25 =	simm.s32 $0x7D0  }
0x21: {  	s26 =	simm.s32 $0xAF0;
	s10 =	simm.s32 $0x14050;
	s13 =	simm.s32 $0x8  }
0x22: {  	[dreg:$0x12] =	wrdreg s9;
	s15 =	sadd.s32 $0x5780, s4;
	s18 =	sadd.s32 $0x4B00, s4  }
0x23: {  	s19 =	sadd.s32 $0x3E80, s4;
	s9 =	sshrl.u32 s20, $0x3;
	[dreg:$0x4] =	wrdreg s15  }
0x24: {  	s20 =	sadd.s32 s5, s3;
	s23 =	sadd.s32 $0x3200, s4;
	[dreg:$0x5] =	wrdreg s18  }
0x25: {  	s5 =	simm.s32 $0x2;
	[dreg:$0x6] =	wrdreg s19;
	s18 =	sadd.s32 s9, s3  }
0x26: {  	s19 =	sadd.s32 s7, s3;
	[dreg:$0x7] =	wrdreg s23;
	s3 =	simm.s32 $0x5  }
0x27: {  	s7 =	simm.s32 $0x3;
	s9 =	simm.s32 $0x4;
	s15 =	simm.s32 $0x0  }
.LBB2_1:
0x28: {  	s4 =	sshrl.u32 @!p0 s1, $0x3;
	s16 =	simm.s32 @!p0 $0x1C0A;
	s17 =	rddreg [dreg:$0x8]  }
0x29: {  	[spmem:s4], [sflag:s16] =	dma.local @!p0 [hbm:s17], $0xFA0  }
0x2a: {  	s4 =	simm.s32 @!p0 $0xA  }
0x2b: {  	_ =	swait.ge @!p0 [sflag:s4], $0xFA0  }
0x2c: {  	[sflag:s4] =	ssyncset.done @!p0 $0x0  }
0x2d: {  	[sflag:s4] =	ssyncadd.s32 @!p0 $0xFFFFF060  }
0x2e: {  	[bflag:$0x0] =	sbarrier.arrive $0xFFFF  }
0x2f: {  	s17 =	rddreg [dreg:$0x9]  }
0x30: {  	[tilespmem:s25], [sflag:$0x1] =	stream.linear.gather [hbm4b:s17+s2], $0x320, $0x38;
	[tilespmem:$0x1A450] =	vst v63  }
0x31: {  	s21 =	rddreg [dreg:$0xa]  }
0x32: {  	[tilespmem:s26], [sflag:$0x2] =	stream.linear.gather [hbm4b:s21+s2], $0x320, $0x38;
	[tilespmem:$0x1A450] =	vst v63  }
0x33: {  	s22 =	rddreg [dreg:$0xb]  }
0x34: {  	[tilespmem:s28], [sflag:$0x3] =	stream.linear.gather [hbm4b:s22+s2], $0x320, $0x38;
	[tilespmem:$0x1A450] =	vst v63  }
0x35: {  	s23 =	rddreg [dreg:$0xc]  }
0x36: {  	[tilespmem:s29], [sflag:$0x4] =	stream.linear.gather [hbm4b:s23+s2], $0x320, $0x38;
	[tilespmem:$0x1A450] =	vst v63  }
0x37: {  	_ =	swait.ge [sflag:s30], $0x320  }
0x38: {  	[sflag:s30] =	ssyncset.done $0x0  }
0x39: {  	[sflag:s30] =	ssyncadd.s32 $0xFFFFFCE0  }
0x3a: {  	[tilespmem:s0], [sflag:$0x5] =	stream.indirect.gather [spmem:s1], $0x20, s25, s31, $0xb8;
	[tilespmem:$0x1A450] =	vst v63  }
0x3b: {  	_ =	swait.ge [sflag:s3], $0x6400  }
0x3c: {  	[sflag:s3] =	ssyncset.done $0x0  }
0x3d: {  	s24 =	rddreg [dreg:$0xd];
	[sflag:s3] =	ssyncadd.s32 $0xFFFF9C00  }
0x3e: {  	[tilespmem:s25], [sflag:$0x1] =	stream.linear.gather [hbm4b:s24+s2], $0x320, $0x38;
	[tilespmem:$0x1A450] =	vst v63  }
0x3f: {  	s16 =	rddreg [dreg:$0xe]  }
0x40: {  	[hbm4b:s16+s2] =	stream.linear.scatter [tilespmem:s0], [sflag:$0x6], $0x6400, $0x38;
	[tilespmem:$0x1A450] =	vst v63  }
0x41: {  	_ =	swait.ge [sflag:s5], $0x320  }
0x42: {  	[sflag:s5] =	ssyncset.done $0x0  }
0x43: {  	[sflag:s5] =	ssyncadd.s32 $0xFFFFFCE0  }
0x44: {  	[tilespmem:s6], [sflag:$0x5] =	stream.indirect.gather [spmem:s1], $0x20, s26, s31, $0xb8;
	[tilespmem:$0x1A450] =	vst v63  }
0x45: {  	_ =	swait.ge [sflag:s3], $0x6400  }
0x46: {  	[sflag:s3] =	ssyncset.done $0x0  }
0x47: {  	s17 =	rddreg [dreg:$0xf];
	[sflag:s3] =	ssyncadd.s32 $0xFFFF9C00  }
0x48: {  	[tilespmem:s26], [sflag:$0x2] =	stream.linear.gather [hbm4b:s17+s2], $0x320, $0x38;
	[tilespmem:$0x1A450] =	vst v63  }
0x49: {  	s21 =	rddreg [dreg:$0x10]  }
0x4a: {  	[hbm4b:s21+s2] =	stream.linear.scatter [tilespmem:s6], [sflag:$0x7], $0x6400, $0x38;
	[tilespmem:$0x1A450] =	vst v63  }
0x4b: {  	_ =	swait.ge [sflag:s7], $0x320  }
0x4c: {  	[sflag:s7] =	ssyncset.done $0x0  }
0x4d: {  	[sflag:s7] =	ssyncadd.s32 $0xFFFFFCE0  }
0x4e: {  	[tilespmem:s8], [sflag:$0x5] =	stream.indirect.gather [spmem:s1], $0x20, s28, s31, $0xb8;
	[tilespmem:$0x1A450] =	vst v63  }
0x4f: {  	_ =	swait.ge [sflag:s3], $0x6400  }
0x50: {  	[sflag:s3] =	ssyncset.done $0x0  }
0x51: {  	s22 =	rddreg [dreg:$0x11];
	[sflag:s3] =	ssyncadd.s32 $0xFFFF9C00  }
0x52: {  	[tilespmem:s28], [sflag:$0x3] =	stream.linear.gather [hbm4b:s22+s2], $0x320, $0x38;
	[tilespmem:$0x1A450] =	vst v63  }
0x53: {  	s23 =	rddreg [dreg:$0x12]  }
0x54: {  	[hbm4b:s23+s2] =	stream.linear.scatter [tilespmem:s8], [sflag:$0x8], $0x6400, $0x38;
	[tilespmem:$0x1A450] =	vst v63  }
0x55: {  	_ =	swait.ge [sflag:s9], $0x320  }
0x56: {  	[sflag:s9] =	ssyncset.done $0x0  }
0x57: {  	[sflag:s9] =	ssyncadd.s32 $0xFFFFFCE0  }
0x58: {  	[tilespmem:s10], [sflag:$0x5] =	stream.indirect.gather [spmem:s1], $0x20, s29, s31, $0xb8;
	[tilespmem:$0x1A450] =	vst v63  }
0x59: {  	_ =	swait.ge [sflag:s3], $0x6400  }
0x5a: {  	[sflag:s3] =	ssyncset.done $0x0  }
0x5b: {  	s24 =	rddreg [dreg:$0x13];
	[sflag:s3] =	ssyncadd.s32 $0xFFFF9C00  }
0x5c: {  	[tilespmem:s29], [sflag:$0x4] =	stream.linear.gather [hbm4b:s24+s2], $0x320, $0x38;
	[tilespmem:$0x1A450] =	vst v63  }
0x5d: {  	s16 =	rddreg [dreg:$0x14]  }
0x5e: {  	[hbm4b:s16+s2] =	stream.linear.scatter [tilespmem:s10], [sflag:$0x9], $0x6400, $0x38;
	[tilespmem:$0x1A450] =	vst v63  }
0x5f: {  	_ =	swait.ge [sflag:s11], $0x6400  }
0x60: {  	[sflag:s11] =	ssyncset.done $0x0  }
0x61: {  	[sflag:s11] =	ssyncadd.s32 $0xFFFF9C00  }
0x62: {  	_ =	swait.ge [sflag:s30], $0x320  }
0x63: {  	[sflag:s30] =	ssyncset.done $0x0  }
0x64: {  	[sflag:s30] =	ssyncadd.s32 $0xFFFFFCE0  }
0x65: {  	[tilespmem:s0], [sflag:$0x5] =	stream.indirect.gather [spmem:s1], $0x20, s25, s31, $0xb8;
	[tilespmem:$0x1A450] =	vst v63  }
0x66: {  	_ =	swait.ge [sflag:s3], $0x6400  }
0x67: {  	[sflag:s3] =	ssyncset.done $0x0  }
0x68: {  	s17 =	rddreg [dreg:$0x7];
	[sflag:s3] =	ssyncadd.s32 $0xFFFF9C00  }
0x69: {  	[tilespmem:s25], [sflag:$0x1] =	stream.linear.gather [hbm4b:s20+s2], $0x320, $0x38;
	[tilespmem:$0x1A450] =	vst v63  }
0x6a: {  	s4 =	sadd.s32 $0x0, s17  }
0x6b: {  	[hbm4b:s4+s2] =	stream.linear.scatter [tilespmem:s0], [sflag:$0x6], $0x6400, $0x38;
	[tilespmem:$0x1A450] =	vst v63  }
0x6c: {  	_ =	swait.ge [sflag:s12], $0x6400  }
0x6d: {  	[sflag:s12] =	ssyncset.done $0x0  }
0x6e: {  	[sflag:s12] =	ssyncadd.s32 $0xFFFF9C00  }
0x6f: {  	_ =	swait.ge [sflag:s5], $0x320  }
0x70: {  	[sflag:s5] =	ssyncset.done $0x0  }
0x71: {  	[sflag:s5] =	ssyncadd.s32 $0xFFFFFCE0  }
0x72: {  	[tilespmem:s6], [sflag:$0x5] =	stream.indirect.gather [spmem:s1], $0x20, s26, s31, $0xb8;
	[tilespmem:$0x1A450] =	vst v63  }
0x73: {  	_ =	swait.ge [sflag:s3], $0x6400  }
0x74: {  	[sflag:s3] =	ssyncset.done $0x0  }
0x75: {  	s21 =	rddreg [dreg:$0x6];
	[sflag:s3] =	ssyncadd.s32 $0xFFFF9C00  }
0x76: {  	[tilespmem:s26], [sflag:$0x2] =	stream.linear.gather [hbm4b:s19+s2], $0x320, $0x38;
	[tilespmem:$0x1A450] =	vst v63  }
0x77: {  	s4 =	sadd.s32 $0x0, s21  }
0x78: {  	[hbm4b:s4+s2] =	stream.linear.scatter [tilespmem:s6], [sflag:$0x7], $0x6400, $0x38;
	[tilespmem:$0x1A450] =	vst v63  }
0x79: {  	_ =	swait.ge [sflag:s13], $0x6400  }
0x7a: {  	[sflag:s13] =	ssyncset.done $0x0  }
0x7b: {  	[sflag:s13] =	ssyncadd.s32 $0xFFFF9C00  }
0x7c: {  	_ =	swait.ge [sflag:s7], $0x320  }
0x7d: {  	[sflag:s7] =	ssyncset.done $0x0  }
0x7e: {  	[sflag:s7] =	ssyncadd.s32 $0xFFFFFCE0  }
0x7f: {  	[tilespmem:s8], [sflag:$0x5] =	stream.indirect.gather [spmem:s1], $0x20, s28, s31, $0xb8;
	[tilespmem:$0x1A450] =	vst v63  }
0x80: {  	_ =	swait.ge [sflag:s3], $0x6400  }
0x81: {  	[sflag:s3] =	ssyncset.done $0x0  }
0x82: {  	s22 =	rddreg [dreg:$0x5];
	[sflag:s3] =	ssyncadd.s32 $0xFFFF9C00  }
0x83: {  	[tilespmem:s28], [sflag:$0x3] =	stream.linear.gather [hbm4b:s18+s2], $0x320, $0x38;
	[tilespmem:$0x1A450] =	vst v63  }
0x84: {  	s4 =	sadd.s32 $0x0, s22  }
0x85: {  	[hbm4b:s4+s2] =	stream.linear.scatter [tilespmem:s8], [sflag:$0x8], $0x6400, $0x38;
	[tilespmem:$0x1A450] =	vst v63  }
0x86: {  	_ =	swait.ge [sflag:s14], $0x6400  }
0x87: {  	[sflag:s14] =	ssyncset.done $0x0  }
0x88: {  	[sflag:s14] =	ssyncadd.s32 $0xFFFF9C00  }
0x89: {  	_ =	swait.ge [sflag:s9], $0x320  }
0x8a: {  	[sflag:s9] =	ssyncset.done $0x0  }
0x8b: {  	[sflag:s9] =	ssyncadd.s32 $0xFFFFFCE0  }
0x8c: {  	[tilespmem:s10], [sflag:$0x5] =	stream.indirect.gather [spmem:s1], $0x20, s29, s31, $0xb8;
	[tilespmem:$0x1A450] =	vst v63  }
0x8d: {  	s16 =	simm.s32 $0x3200;
	_ =	swait.ge [sflag:s3], $0x6400  }
0x8e: {  	s21 =	sadd.s32 $0x190, s20;
	[sflag:s3] =	ssyncset.done $0x0;
	s22 =	rddreg [dreg:$0x4]  }
0x8f: {  	s4 =	sadd.s32 $0x190, s19;
	s23 =	rddreg [dreg:$0x16];
	[sflag:s3] =	ssyncadd.s32 $0xFFFF9C00  }
0x90: {  	[tilespmem:s29], [sflag:$0x4] =	stream.linear.gather [hbm4b:s23+s2], $0x320, $0x38;
	[tilespmem:$0x1A450] =	vst v63  }
0x91: {  	s24 =	sadd.s32 $0x0, s22;
	s22 =	sadd.s32 $0x190, s23;
	s23 =	sadd.s32 $0x190, s18  }
.LBB2_2:
0x92: {  	[hbm4b:s24+s2] =	stream.linear.scatter [tilespmem:s10], [sflag:$0x9], $0x6400, $0x38;
	[tilespmem:$0x1A450] =	vst v63  }
0x93: {  	_ =	swait.ge [sflag:s11], $0x6400  }
0x94: {  	[sflag:s11] =	ssyncset.done $0x0  }
0x95: {  	[sflag:s11] =	ssyncadd.s32 $0xFFFF9C00  }
0x96: {  	_ =	swait.ge [sflag:s30], $0x320  }
0x97: {  	[sflag:s30] =	ssyncset.done $0x0  }
0x98: {  	[sflag:s30] =	ssyncadd.s32 $0xFFFFFCE0  }
0x99: {  	[tilespmem:s0], [sflag:$0x5] =	stream.indirect.gather [spmem:s1], $0x20, s25, s31, $0xb8;
	[tilespmem:$0x1A450] =	vst v63  }
0x9a: {  	_ =	swait.ge [sflag:s3], $0x6400  }
0x9b: {  	[sflag:s3] =	ssyncset.done $0x0  }
0x9c: {  	s24 =	smov.u32 s16;
	s17 =	rddreg [dreg:$0x7];
	[sflag:s3] =	ssyncadd.s32 $0xFFFF9C00  }
0x9d: {  	[tilespmem:s25], [sflag:$0x1] =	stream.linear.gather [hbm4b:s21+s2], $0x320, $0x38;
	[tilespmem:$0x1A450] =	vst v63  }
0x9e: {  	s17 =	sadd.s32 s24, s17  }
0x9f: {  	[hbm4b:s17+s2] =	stream.linear.scatter [tilespmem:s0], [sflag:$0x6], $0x6400, $0x38;
	[tilespmem:$0x1A450] =	vst v63  }
0xa0: {  	_ =	swait.ge [sflag:s12], $0x6400  }
0xa1: {  	[sflag:s12] =	ssyncset.done $0x0  }
0xa2: {  	[sflag:s12] =	ssyncadd.s32 $0xFFFF9C00  }
0xa3: {  	_ =	swait.ge [sflag:s5], $0x320  }
0xa4: {  	[sflag:s5] =	ssyncset.done $0x0  }
0xa5: {  	[sflag:s5] =	ssyncadd.s32 $0xFFFFFCE0  }
0xa6: {  	[tilespmem:s6], [sflag:$0x5] =	stream.indirect.gather [spmem:s1], $0x20, s26, s31, $0xb8;
	[tilespmem:$0x1A450] =	vst v63  }
0xa7: {  	_ =	swait.ge [sflag:s3], $0x6400  }
0xa8: {  	[sflag:s3] =	ssyncset.done $0x0  }
0xa9: {  	s17 =	rddreg [dreg:$0x6];
	[sflag:s3] =	ssyncadd.s32 $0xFFFF9C00  }
0xaa: {  	[tilespmem:s26], [sflag:$0x2] =	stream.linear.gather [hbm4b:s4+s2], $0x320, $0x38;
	[tilespmem:$0x1A450] =	vst v63  }
0xab: {  	s17 =	sadd.s32 s24, s17  }
0xac: {  	[hbm4b:s17+s2] =	stream.linear.scatter [tilespmem:s6], [sflag:$0x7], $0x6400, $0x38;
	[tilespmem:$0x1A450] =	vst v63  }
0xad: {  	_ =	swait.ge [sflag:s13], $0x6400  }
0xae: {  	[sflag:s13] =	ssyncset.done $0x0  }
0xaf: {  	[sflag:s13] =	ssyncadd.s32 $0xFFFF9C00  }
0xb0: {  	_ =	swait.ge [sflag:s7], $0x320  }
0xb1: {  	[sflag:s7] =	ssyncset.done $0x0  }
0xb2: {  	[sflag:s7] =	ssyncadd.s32 $0xFFFFFCE0  }
0xb3: {  	[tilespmem:s8], [sflag:$0x5] =	stream.indirect.gather [spmem:s1], $0x20, s28, s31, $0xb8;
	[tilespmem:$0x1A450] =	vst v63  }
0xb4: {  	_ =	swait.ge [sflag:s3], $0x6400  }
0xb5: {  	[sflag:s3] =	ssyncset.done $0x0  }
0xb6: {  	s17 =	rddreg [dreg:$0x5];
	[sflag:s3] =	ssyncadd.s32 $0xFFFF9C00  }
0xb7: {  	[tilespmem:s28], [sflag:$0x3] =	stream.linear.gather [hbm4b:s23+s2], $0x320, $0x38;
	[tilespmem:$0x1A450] =	vst v63  }
0xb8: {  	s17 =	sadd.s32 s24, s17  }
0xb9: {  	[hbm4b:s17+s2] =	stream.linear.scatter [tilespmem:s8], [sflag:$0x8], $0x6400, $0x38;
	[tilespmem:$0x1A450] =	vst v63  }
0xba: {  	_ =	swait.ge [sflag:s14], $0x6400  }
0xbb: {  	[sflag:s14] =	ssyncset.done $0x0  }
0xbc: {  	[sflag:s14] =	ssyncadd.s32 $0xFFFF9C00  }
0xbd: {  	_ =	swait.ge [sflag:s9], $0x320  }
0xbe: {  	[sflag:s9] =	ssyncset.done $0x0  }
0xbf: {  	p1 =	sne.s32 s16, $0x5AA00;
	[sflag:s9] =	ssyncadd.s32 $0xFFFFFCE0  }
0xc0: {  	[tilespmem:s10], [sflag:$0x5] =	stream.indirect.gather [spmem:s1], $0x20, s29, s31, $0xb8;
	[tilespmem:$0x1A450] =	vst v63  }
.Ltmp0:
0xc1: {  	_ =	swait.ge [sflag:s3], $0x6400;
	(pc) =	sbr.rel @p1 .LBB2_2-.Ltmp0, $4  }
0xc2: {  	s16 =	sadd.s32 $0x3200, s16;
	s21 =	sadd.s32 $0x190, s21;
	[sflag:s3] =	ssyncset.done $0x0  }
0xc3: {  	s4 =	sadd.s32 $0x190, s4;
	s17 =	rddreg [dreg:$0x4];
	[sflag:s3] =	ssyncadd.s32 $0xFFFF9C00  }
0xc4: {  	[tilespmem:s29], [sflag:$0x4] =	stream.linear.gather [hbm4b:s22+s2], $0x320, $0x38;
	[tilespmem:$0x1A450] =	vst v63  }
0xc5: {  	s23 =	sadd.s32 $0x190, s23;
	s24 =	sadd.s32 s24, s17;
	s22 =	sadd.s32 $0x190, s22  }
0xc6: {  	[hbm4b:s24+s2] =	stream.linear.scatter [tilespmem:s10], [sflag:$0x9], $0x6400, $0x38;
	[tilespmem:$0x1A450] =	vst v63  }
0xc7: {  	_ =	swait.ge [sflag:s11], $0x6400  }
0xc8: {  	[sflag:s11] =	ssyncset.done $0x0  }
0xc9: {  	[sflag:s11] =	ssyncadd.s32 $0xFFFF9C00  }
0xca: {  	_ =	swait.ge [sflag:s30], $0x320  }
0xcb: {  	[sflag:s30] =	ssyncset.done $0x0  }
0xcc: {  	[sflag:s30] =	ssyncadd.s32 $0xFFFFFCE0  }
0xcd: {  	[tilespmem:s0], [sflag:$0x5] =	stream.indirect.gather [spmem:s1], $0x20, s25, s31, $0xb8;
	[tilespmem:$0x1A450] =	vst v63  }
0xce: {  	_ =	swait.ge [sflag:s3], $0x6400  }
0xcf: {  	[sflag:s3] =	ssyncset.done $0x0  }
0xd0: {  	s4 =	rddreg [dreg:$0x15];
	[sflag:s3] =	ssyncadd.s32 $0xFFFF9C00  }
0xd1: {  	[hbm4b:s4+s2] =	stream.linear.scatter [tilespmem:s0], [sflag:$0x6], $0x6400, $0x38;
	[tilespmem:$0x1A450] =	vst v63  }
0xd2: {  	_ =	swait.ge [sflag:s12], $0x6400  }
0xd3: {  	[sflag:s12] =	ssyncset.done $0x0  }
0xd4: {  	[sflag:s12] =	ssyncadd.s32 $0xFFFF9C00  }
0xd5: {  	_ =	swait.ge [sflag:s5], $0x320  }
0xd6: {  	[sflag:s5] =	ssyncset.done $0x0  }
0xd7: {  	[sflag:s5] =	ssyncadd.s32 $0xFFFFFCE0  }
0xd8: {  	[tilespmem:s6], [sflag:$0x5] =	stream.indirect.gather [spmem:s1], $0x20, s26, s31, $0xb8;
	[tilespmem:$0x1A450] =	vst v63  }
0xd9: {  	_ =	swait.ge [sflag:s3], $0x6400  }
0xda: {  	[sflag:s3] =	ssyncset.done $0x0  }
0xdb: {  	s21 =	rddreg [dreg:$0x17];
	[sflag:s3] =	ssyncadd.s32 $0xFFFF9C00  }
0xdc: {  	[hbm4b:s21+s2] =	stream.linear.scatter [tilespmem:s6], [sflag:$0x7], $0x6400, $0x38;
	[tilespmem:$0x1A450] =	vst v63  }
0xdd: {  	_ =	swait.ge [sflag:s13], $0x6400  }
0xde: {  	[sflag:s13] =	ssyncset.done $0x0  }
0xdf: {  	[sflag:s13] =	ssyncadd.s32 $0xFFFF9C00  }
0xe0: {  	_ =	swait.ge [sflag:s7], $0x320  }
0xe1: {  	[sflag:s7] =	ssyncset.done $0x0  }
0xe2: {  	[sflag:s7] =	ssyncadd.s32 $0xFFFFFCE0  }
0xe3: {  	[tilespmem:s8], [sflag:$0x5] =	stream.indirect.gather [spmem:s1], $0x20, s28, s31, $0xb8;
	[tilespmem:$0x1A450] =	vst v63  }
0xe4: {  	_ =	swait.ge [sflag:s3], $0x6400  }
0xe5: {  	[sflag:s3] =	ssyncset.done $0x0  }
0xe6: {  	s22 =	rddreg [dreg:$0x18];
	[sflag:s3] =	ssyncadd.s32 $0xFFFF9C00  }
0xe7: {  	[hbm4b:s22+s2] =	stream.linear.scatter [tilespmem:s8], [sflag:$0x8], $0x6400, $0x38;
	[tilespmem:$0x1A450] =	vst v63  }
0xe8: {  	_ =	swait.ge [sflag:s14], $0x6400  }
0xe9: {  	[sflag:s14] =	ssyncset.done $0x0  }
0xea: {  	[sflag:s14] =	ssyncadd.s32 $0xFFFF9C00  }
0xeb: {  	_ =	swait.ge [sflag:s9], $0x320  }
0xec: {  	[sflag:s9] =	ssyncset.done $0x0  }
0xed: {  	[sflag:s9] =	ssyncadd.s32 $0xFFFFFCE0  }
0xee: {  	[tilespmem:s10], [sflag:$0x5] =	stream.indirect.gather [spmem:s1], $0x20, s29, s31, $0xb8;
	[tilespmem:$0x1A450] =	vst v63  }
0xef: {  	_ =	swait.ge [sflag:s3], $0x6400  }
0xf0: {  	[sflag:s3] =	ssyncset.done $0x0  }
0xf1: {  	s23 =	rddreg [dreg:$0x19];
	[sflag:s3] =	ssyncadd.s32 $0xFFFF9C00  }
0xf2: {  	[hbm4b:s23+s2] =	stream.linear.scatter [tilespmem:s10], [sflag:$0x9], $0x6400, $0x38;
	[tilespmem:$0x1A450] =	vst v63  }
0xf3: {  	_ =	swait.ge [sflag:s11], $0x6400  }
0xf4: {  	[sflag:s11] =	ssyncset.done $0x0  }
0xf5: {  	[sflag:s11] =	ssyncadd.s32 $0xFFFF9C00  }
0xf6: {  	_ =	swait.ge [sflag:s12], $0x6400  }
0xf7: {  	[sflag:s12] =	ssyncset.done $0x0  }
0xf8: {  	[sflag:s12] =	ssyncadd.s32 $0xFFFF9C00  }
0xf9: {  	_ =	swait.ge [sflag:s13], $0x6400  }
0xfa: {  	[sflag:s13] =	ssyncset.done $0x0  }
0xfb: {  	[sflag:s13] =	ssyncadd.s32 $0xFFFF9C00  }
0xfc: {  	_ =	swait.ge [sflag:s14], $0x6400  }
0xfd: {  	s15 =	sadd.s32 $0x1, s15;
	s24 =	rddreg [dreg:$0x1a]  }
0xfe: {  	p1 =	sne.s32 s15, s24  }
.Ltmp1:
0xff: {  	_ = 	snop;
	(pc) =	sbr.rel @p1 .LBB2_1-.Ltmp1, $3  }
0x100: {  	_ =	sdelay $0x1  }
0x101: {  	[sflag:s14] =	ssyncset.done $0x0  }
0x102: {  	[sflag:s14] =	ssyncadd.s32 $0xFFFF9C00  }
0x103: {  	_ =	sfence.sel $0x180000  }
0x104: {  	[bflag:$0x0] =	sbarrier.arrive $0xFFFF  }
0x105: {  	_ =	strace $0x90000047  }
0x106: {  	[bflag:$0x2] =	sbarrier.arrive $0xFFFF  }
0x107: {  	s0 =	rddreg [dreg:$0x3]  }
0x108: {  	s0 =	sadd.s32 @!p0 $0x100000, s0  }
0x109: {  	[sflag:s0] =	ssyncadd.tile.s32 @!p0 $0x1;
	_ =	shalt  }
.Lfunc_end2:
_tile_overlayer_lowered:
.L_overlay_start_2:
0x10a: {  	(tag) =	ssettag $0x2  }
0x10b: {  	s0 =	rddreg [dreg:$0x0];
	s2 =	stileid.u32  }
0x10c: {  	s1 =	rddreg [dreg:$0x1];
	p0 =	sne.s32 s2, $0x0  }
0x10d: {  	s3 =	rddreg [dreg:$0x2];
	[bflag:$0x3] =	sbarrier.arrive $0xFFFF;
	s2 =	simm.s32 @!p0 $0x1C0A  }
0x10e: {  	[timem:s3], [sflag:s2] =	dma.local @!p0 [hbm:s0], s1  }
0x10f: {  	s0 =	simm.s32 @!p0 $0xA  }
0x110: {  	_ =	swait.ge @!p0 [sflag:s0], s1  }
0x111: {  	s1 =	ssub.s32 @!p0 $0x0, s1;
	[sflag:s0] =	ssyncset.done @!p0 $0x0  }
0x112: {  	[sflag:s0] =	ssyncadd.s32 @!p0 s1  }
0x113: {  	[bflag:$0x3] =	sbarrier.arrive $0xFFFF  }
0x114: {  	_ =	shalt  }

// kernel: sparse-core-data-format-call.cloned.1.call-start
scs
called_computation_lowered:
.L_overlay_start_0:
0x0: {  	s2 =	sld [smem:$0x3FD9]  }
0x1: {  	s3 =	sld [smem:$0x3FFE];
	_ =	sdelay $0x1  }
0x2: {  	s1 =	srdreg.scid  }
0x3: {  	s0 =	sand.u32 $0x1, s1  }
0x4: {  	s18 =	sshll.u32 s0, $0xA;
	s2 =	sadd.s32 s3, s2  }
0x5: {  	s2 =	sadd.s32 s2, s18  }
0x6: {  	[smem:$0x3FC6] =	sst s2  }
0x7: {  	_ = 	snop  }
0x8: {  	s2 =	sld [smem:$0x3FD0];
	(tm) =	ssettm $0x1  }
0x9: {  	s19 =	sld [smem:$0x3FFB];
	_ =	sdelay $0x3  }
0xa: {  	_ =	strace s19  }
0xb: {  	s3 =	sld [smem:$0x3FFC];
	_ =	sdelay $0x3  }
0xc: {  	_ =	strace s3  }
0xd: {  	s3 =	sld [smem:$0x3FFD];
	_ =	sdelay $0x3  }
0xe: {  	_ =	strace s3  }
0xf: {  	_ =	strace $0x8FFFFFFF  }
0x10: {  	s20 =	sld [smem:$0x3FDB];
	_ =	sdelay $0x1  }
0x11: {  	s4 =	simm.s32 $_scs_section_size  }
0x12: {  	s5 =	simm.s32 $_size__tile_overlayer_lowered;
	s6 =	simm.s32 $_tile_overlayer_lowered  }
0x13: {  	s23 =	simm.s32 $0x1BFF;
	s22 =	sshll.u32 s6, $0x1;
	s3 =	sadd.s32 s4, s20  }
0x14: {  	s7 =	simm.s32 $0x0;
	s21 =	sshll.u32 s5, $0x1;
	s5 =	sadd.s32 s22, s3  }
0x15: {  	[timem:s7], [sflag:s23] =	dma.local [hbm:s5], s21  }
0x16: {  	_ =	swait.ge [sflag:s23], s21  }
0x17: {  	s4 =	ssub.s32 $0x0, s21;
	[sflag:s23] =	ssyncset.done $0x0  }
0x18: {  	[sflag:s23] =	ssyncadd.s32 s4;
	_ =	sdelay $0x1  }
0x19: {  	s24 =	simm.s32 $0x1B8B  }
0x1a: {  	_ =	swait.ge [sflag:s24], $0x1  }
0x1b: {  	[sflag:s24] =	ssyncset.done $0x0  }
0x1c: {  	s26 =	simm.s32 $0x1B8E;
	s25 =	sld [smem:$0x3FFE];
	[sflag:s24] =	ssyncadd.s32 $0xFFFFFFFF  }
0x1d: {  	s27 =	simm.s32 $execute0_lowered;
	[smem:$0x3FD2] =	sst s26  }
0x1e: {  	s5 =	sshll.u32 s27, $0x1;
	_ =	strace $0x80000049;
	[dreg:$0x1] =	wrdreg $0xFFFFFFFF  }
0x1f: {  	s28 =	simm.s32 $_size_execute0_lowered;
	s3 =	sadd.s32 s3, s5;
	[dreg:$0x0] =	wrdreg $0x0  }
0x20: {  	s5 =	sshll.u32 s28, $0x1;
	[dreg:$0x2] =	wrdreg s3  }
0x21: {  	[dreg:$0x3] =	wrdreg s5  }
0x22: {  	[dreg:$0x4] =	wrdreg $0xC0  }
0x23: {  	_ =	task [dreg:s7], $0x5FFFF  }
0x24: {  	[dreg:$0x1] =	wrdreg $0xFFFFFFFF  }
0x25: {  	[dreg:$0x0] =	wrdreg $0x60  }
0x26: {  	[dreg:$0x2] =	wrdreg s25  }
0x27: {  	[dreg:$0x3] =	wrdreg s2  }
0x28: {  	[dreg:$0x4] =	wrdreg $0x9  }
0x29: {  	_ =	task.clear_ibuf [dreg:s7], $0x5FFFF;
	_ =	strace $0x90000049  }
0x2a: {  	s29 =	simm.s32 $0x9;
	_ =	strace $0x8000004B  }
0x2b: {  	_ =	swait.ge [sflag:s29], $0x1  }
0x2c: {  	[sflag:s29] =	ssyncadd.s32 $0xFFFFFFFF  }
0x2d: {  	_ =	strace $0x9000004B  }
0x2e: {  	_ =	sfence  }
0x2f: {  	s30 =	sld [smem:$0x0];
	_ =	sdelay $0x2  }
0x30: {  	s31 =	sshll.u32 s1, $0xD;
	s1 =	sshrl.u32 s1, $0x2  }
0x31: {  	s3 =	sand.u32 $0x4000, s31;
	s1 =	sadd.s32 s1, s30  }
0x32: {  	s0 =	sor.u32 s3, s0;
	s1 =	sshll.u32 s1, $0x11  }
0x33: {  	s0 =	sor.u32 s1, s0  }
0x34: {  	s0 =	sadd.s32 $0x8F2B, s0  }
0x35: {  	[sflag:s0] =	ssyncadd.remote.s32 $0x1  }
0x36: {  	_ =	sfence.sel $0xFFFF  }
0x37: {  	[dreg:$0x0] =	wrdreg $0xFFFFFFFF;
	(pc) =	sbr.abs _section_cstart, $3  }
0x38: {  	[dreg:$0x1] =	wrdreg $0xFFFFFFFF  }
0x39: {  	_ =	task.clear_ibuf [dreg:s7], $0x2FFFF;
	_ =	strace $0x9FFFFFFF  }
0x3a: {  	(tm) =	ssettm $0x7FFFFFFF  }
0x3b: {  	_ =	shalt  }
tec
execute0_lowered:
.L_overlay_start_1:
0x0: {  	(tag) =	ssettag $0x1  }
0x1: {  	s0 =	srdreg.scid  }
0x2: {  	s1 =	sshll.u32 s0, $0x4  }
0x3: {  	s0 =	stileid.u32;
	s1 =	sand.u32 $0x10, s1  }
0x4: {  	s1 =	sor.u32 s0, s1  }
0x5: {  	s6 =	rddreg [dreg:$0x0];
	s4 =	simm.s32 $0x1;
	s2 =	sshll.u32 s1, $0x7  }
0x6: {  	s7 =	simm.s32 $0x2;
	s12 =	simm.s32 $0x0;
	s1 =	ssub.s32 $0x4000, s2  }
0x7: {  	s8 =	simm.s32 $0x20000;
	s13 =	simm.s32 $0x0;
	s3 =	sand.u32 $0xF80, s1  }
0x8: {  	s9 =	simm.s32 $0x0;
	s5 =	sshrl.u32 s1, $0xC;
	p0 =	sne.s32 s3, $0x0  }
.Ltmp0:
0x9: {  	s1 =	rddreg [dreg:$0x2];
	s4 =	simm.s32 @!p0 $0x0;
	(pc) =	sbr.rel .LBB1_1-.Ltmp0, $4  }
0xa: {  	s11 =	simm.s32 $0x0;
	s3 =	rddreg [dreg:$0x1];
	s5 =	sadd.s32 s4, s5  }
0xb: {  	_ =	strace $0x8000004A;
	s4 =	simm.s32 $0x1;
	s5 =	smul.u32 $0xC8, s5  }
0xc: {  	s6 =	sadd.s32 $0x800, s6;
	s10 =	smov.u32 s2;
	[sflag:s4] =	ssyncpa.u1 $0x0  }
0xd: {  	p0 =	por $0x0, $0x0;
	[sflag:s7] =	ssyncpa.u1 $0x0;
	s7 =	sor.u32 $0x1, s5  }
.LBB1_4:
0xe: {  	s16 =	sshll.u32 s13, $0x3;
	s17 =	sand.u32 $0x78, s13  }
0xf: {  	s30 =	sand.u32 $0xF800, s13;
	s12 =	sshll.u32 s12, $0x10;
	s16 =	sand.u32 $0x3C00, s16  }
0x10: {  	s31 =	sand.u32 $0x7, s13;
	s16 =	sor.u32 s17, s16;
	s17 =	sadd.s32 s3, s30  }
0x11: {  	s13 =	sshll.u32 s31, $0x12;
	s16 =	sshrl.u32 s16, $0x3;
	s12 =	sadd.s32 s12, s17  }
0x12: {  	[tilespmem:s15+$0x0 ss:$0x81] =	vst.msk $0xffff, v0;
	s13 =	sor.u32 $0x400, s13;
	s12 =	sadd.s32 s16, s12  }
0x13: {  	[hbm4b:s12+s13] =	stream.strided.scatter [tilespmem:s14], [sflag:$0x2], $0x1000, s8, s13, $0x20;
	[tilespmem:$0x4040] =	vst v63  }
.LBB1_5:
0x14: {  	s14 =	sadd.s32 $0x1, s9  }
0x15: {  	s12 =	sadd.s32 $0x1000, s10;
	s16 =	smov.u32 s10;
	p2 =	sgt.s32 s14, $0xC7  }
0x16: {  	s16 =	smov.u32 @p2 s12  }
0x17: {  	s14 =	simm.s32 @p2 $0x0;
	p2 =	sgt.s32 s16, $0x3FFF  }
0x18: {  	s16 =	smov.u32 @p2 s2;
	p2 =	sne.s32 s11, s7  }
.Ltmp1:
0x19: {  	p1 =	slt.u32 s11, $0x2;
	(pc) =	sbr.rel @!p2 .LBB1_6-.Ltmp1, $4  }
0x1a: {  	s15 =	simm.s32 @!p1 $0x2  }
0x1b: {  	s13 =	smov.u32 s10;
	p0 =	por !p0, !p0;
	_ =	swait.ge @!p1 [sflag:s15], $0x1000  }
0x1c: {  	s12 =	smov.u32 s9;
	[sflag:s15] =	ssyncset.done @!p1 $0x0;
	s9 =	smov.u32 s14  }
0x1d: {  	s11 =	sadd.s32 $0x1, s11;
	[sflag:s15] =	ssyncadd.s32 @!p1 $0xFFFFF000;
	s10 =	smov.u32 s16  }
.LBB1_1:
0x1e: {  	p1 =	sge.u32 s11, s5  }
0x1f: {  	s14 =	sand.u32 @!p1 $0x1FFFFFF, s9  }
0x20: {  	s15 =	smulhi.u32 @!p1 $0x147AE15, s14;
	_ =	sdelay $0x1  }
0x21: {  	s15 =	smul.u32 @!p1 $0xC8, s15  }
0x22: {  	s16 =	sxor.u32 @!p1 $0xFFFFFFFF, s11;
	s17 =	smul.u32 @!p1 $0xC80, s10  }
0x23: {  	s31 =	sadd.s32 $0xFFFFFFFF, s11;
	s16 =	sshll.u32 @!p1 s16, $0xC;
	s14 =	ssub.s32 @!p1 s14, s15  }
0x24: {  	s15 =	sand.u32 @!p1 $0x1000, s16;
	s16 =	sadd.s32 @!p1 s6, s17;
	s14 =	sshll.u32 @!p1 s14, $0x4  }
0x25: {  	s17 =	simm.s32 @!p1 $0x6400;
	s14 =	sadd.s32 @!p1 s14, s16;
	s16 =	simm.s32 @!p1 $0x20  }
0x26: {  	[tilespmem:s15], [sflag:$0x1] =	stream.strided.gather @!p1 [hbm4b:s14+s16], $0x1000, s17, s16, $0x38;
	[tilespmem:$0x4040] =	vst v63  }
0x27: {  	p1 =	sge.u32 s31, s5  }
.Ltmp2:
0x28: {  	_ = 	snop;
	(pc) =	sbr.rel @p1 .LBB1_5-.Ltmp2, $1  }
0x29: {  	_ =	sdelay $0x3  }
0x2a: {  	s14 =	simm.s32 $0x1  }
0x2b: {  	_ =	swait.ge [sflag:s4], $0x1000;
	s14 =	simm.s32 @!p0 $0x0  }
0x2c: {  	[sflag:s4] =	ssyncset.done $0x0;
	s15 =	sshll.u32 s14, $0xC  }
0x2d: {  	[sflag:s4] =	ssyncadd.s32 $0xFFFFF000;
	s18 =	sor.u32 $0x10, s15  }
0x2e: {  	s14 =	smul.u32 $0x4080, s14;
	v1 =	vld [tilespmem:s18+$0x0]  }
0x2f: {  	s30 =	sand.u32 $0x1, s11;
	v0 =	vld [tilespmem:s18+$0xFFFFFFF0]  }
0x30: {  	s15 =	smul.u32 $0x4080, s30;
	s14 =	sshrl.u32 s14, $0x2  }
0x31: {  	s16 =	sor.u32 $0x2000, s14  }
0x32: {  	s31 =	sshrl.u32 s15, $0x2;
	s15 =	sadd.s32 $0x0, s16  }
0x33: {  	s17 =	simm.s32 $0x4;
	s18 =	sadd.s32 $0x20, s18;
	s14 =	sor.u32 $0x2000, s31;
	[tilespmem:s15+$0x810 ss:$0x81] =	vst.msk $0xffff, v1  }
.LBB1_3:
0x34: {  	v1 =	vld [tilespmem:s18+$0x0];
	p1 =	sne.s32 s17, $0x1FC;
	[tilespmem:s15+$0x0 ss:$0x81] =	vst.msk $0xffff, v0;
	s15 =	smov.u32 s17;
	s17 =	sadd.s32 $0x4, s17  }
.Ltmp3:
0x35: {  	v0 =	vld [tilespmem:s18+$0xFFFFFFF0];
	(pc) =	sbr.rel @p1 .LBB1_3-.Ltmp3, $4  }
0x36: {  	_ = 	snop  }
0x37: {  	s15 =	sshra.s32 s15, $0x2  }
0x38: {  	s15 =	sadd.s32 s15, s16  }
0x39: {  	s18 =	sadd.s32 $0x20, s18;
	[tilespmem:s15+$0x810 ss:$0x81] =	vst.msk $0xffff, v1  }
.Ltmp4:
0x3a: {  	_ = 	snop;
	(pc) =	sbr.rel .LBB1_4-.Ltmp4, $1  }
0x3b: {  	_ =	sdelay $0x3  }
.LBB1_6:
0x3c: {  	_ =	sfence.sel $0x180000  }
0x3d: {  	s2 =	simm.s32 $0x1;
	[bflag:$0x0] =	sbarrier.arrive $0xFFFF  }
0x3e: {  	s31 =	simm.s32 $0x2;
	[sflag:s2] =	ssyncpa.u1 $0x1  }
0x3f: {  	[sflag:s31] =	ssyncpa.u1 $0x1  }
0x40: {  	p0 =	sne.s32 s0, $0x0;
	_ =	strace $0x9000004A  }
0x41: {  	s0 =	sadd.s32 @!p0 $0x100000, s1;
	[bflag:$0x2] =	sbarrier.arrive $0xFFFF  }
0x42: {  	[sflag:s0] =	ssyncadd.tile.s32 @!p0 $0x1;
	_ =	shalt  }
.Lfunc_end1:
_tile_overlayer_lowered:
.L_overlay_start_2:
0x43: {  	(tag) =	ssettag $0x2  }
0x44: {  	s0 =	rddreg [dreg:$0x0];
	s2 =	stileid.u32  }
0x45: {  	s1 =	rddreg [dreg:$0x1];
	p0 =	sne.s32 s2, $0x0  }
0x46: {  	s3 =	rddreg [dreg:$0x2];
	[bflag:$0x3] =	sbarrier.arrive $0xFFFF;
	s2 =	simm.s32 @!p0 $0x1C01  }
0x47: {  	[timem:s3], [sflag:s2] =	dma.local @!p0 [hbm:s0], s1  }
0x48: {  	s0 =	simm.s32 @!p0 $0x1  }
0x49: {  	_ =	swait.ge @!p0 [sflag:s0], s1  }
0x4a: {  	s1 =	ssub.s32 @!p0 $0x0, s1;
	[sflag:s0] =	ssyncset.done @!p0 $0x0  }
0x4b: {  	[sflag:s0] =	ssyncadd.s32 @!p0 s1  }
0x4c: {  	[bflag:$0x3] =	sbarrier.arrive $0xFFFF  }
0x4d: {  	_ =	shalt  }

</sc_bundles>
